<compile_context>
chip_gen: v7x
topology: tpu7x:2x2x1
jax: 0.10.2.dev20260603
libtpu: 0.0.44.dev20260713+nightly
codegen_flags: <defaults>
</compile_context>

<pallas_src>
import functools

import numpy as np
import jax
import jax.numpy as jnp
from jax import lax
from jax.experimental import pallas as pl
from jax.experimental.pallas import tpu as pltpu
from jax.experimental.pallas import tpu_sc as plsc

_IMAGE = 200
_PC = 50
_NPTS = _PC * _PC
_LANES = 16
_PAD = 2560
_NCHUNK = _PAD // _LANES
_NC, _NS = 2, 16
_NW = _NC * _NS
_SC_FRAMES = 96


def _grid_geometry():
    x1 = np.linspace(0.0, 1.0, _PC).astype(np.float32)
    g = x1 * np.float32(_IMAGE - 1)
    i0 = np.clip(np.floor(g).astype(np.int32), 0, _IMAGE - 1)
    i1 = np.clip(i0 + 1, 0, _IMAGE - 1)
    w = g - i0.astype(np.float32)
    return i0, i1, w


def _build_interp_matrices():
    i0, i1, w = _grid_geometry()
    m = np.zeros((_PC, _IMAGE), np.float32)
    m[np.arange(_PC), i0] += 1.0 - w
    m[np.arange(_PC), i1] += w
    return m


_INTERP_W = _build_interp_matrices()


def _make_sc_sampler(n_frames):
    frames_per_w = n_frames // _NW
    mesh = plsc.VectorSubcoreMesh(core_axis_name="c", subcore_axis_name="s")

    @functools.partial(
        pl.kernel,
        mesh=mesh,
        out_type=jax.ShapeDtypeStruct((n_frames, _PAD), jnp.float32),
        compiler_params=pltpu.CompilerParams(needs_layout_passes=False),
        scratch_types=[
            pltpu.VMEM((_IMAGE, _IMAGE), jnp.float32),
            pltpu.VMEM((_IMAGE, _IMAGE), jnp.float32),
            pltpu.VMEM((_PAD,), jnp.float32),
            pltpu.SemaphoreType.DMA,
            pltpu.SemaphoreType.DMA,
        ],
    )
    def sampler(frames_hbm, out_hbm, fbuf0, fbuf1, ovec, sem0, sem1):
        wid = lax.axis_index("s") * _NC + lax.axis_index("c")
        base = wid * frames_per_w
        bufs = (fbuf0, fbuf1)
        sems = (sem0, sem1)
        lane = lax.iota(jnp.int32, _LANES)
        nxt = pltpu.async_copy(frames_hbm.at[base], fbuf0, sem0)
        for k in range(frames_per_w):
            cur_buf = bufs[k % 2]
            cur_cp = nxt
            if k + 1 < frames_per_w:
                nxt = pltpu.async_copy(
                    frames_hbm.at[base + k + 1], bufs[(k + 1) % 2],
                    sems[(k + 1) % 2])
            cur_cp.wait()

            @plsc.parallel_loop(0, _NCHUNK, unroll=4)
            def _chunk(i):
                p = i * _LANES + lane
                py = (p * 1311) >> 16
                px = p - py * _PC
                gx = (px.astype(jnp.float32) / np.float32(_PC - 1)
                      * np.float32(_IMAGE - 1))
                gy = (py.astype(jnp.float32) / np.float32(_PC - 1)
                      * np.float32(_IMAGE - 1))
                ix0 = jnp.minimum(gx.astype(jnp.int32), _IMAGE - 1)
                iy0 = jnp.minimum(gy.astype(jnp.int32), _IMAGE - 1)
                ix1 = jnp.minimum(ix0 + 1, _IMAGE - 1)
                iy1 = jnp.minimum(iy0 + 1, _IMAGE - 1)
                wx = gx - ix0.astype(jnp.float32)
                wy = gy - iy0.astype(jnp.float32)
                v0 = plsc.load_gather(cur_buf, [iy0, ix0])
                v1 = plsc.load_gather(cur_buf, [iy0, ix1])
                v2 = plsc.load_gather(cur_buf, [iy1, ix0])
                v3 = plsc.load_gather(cur_buf, [iy1, ix1])
                ovec[pl.ds(i * _LANES, _LANES)] = (
                    v0 * (1.0 - wx) * (1.0 - wy) + v1 * wx * (1.0 - wy)
                    + v2 * (1.0 - wx) * wy + v3 * wx * wy)

            pltpu.sync_copy(ovec, out_hbm.at[base + k])

    return sampler


_TC_BLK = 32


def _tc_matmul_half(frames, start, count):
    wy = jnp.asarray(_INTERP_W)
    wxt = jnp.asarray(_INTERP_W.T)

    def body(frame_ref, wy_ref, wxt_ref, out_ref):
        rm = frame_ref[...].reshape(_TC_BLK * _IMAGE, _IMAGE)
        tmp = jnp.dot(rm, wxt_ref[...], preferred_element_type=jnp.float32)
        tmp = tmp.reshape(_TC_BLK, _IMAGE, _PC)
        for f in range(_TC_BLK):
            out_ref[f] = jnp.dot(wy_ref[...], tmp[f],
                                 preferred_element_type=jnp.float32)

    blocks = count // _TC_BLK
    return pl.pallas_call(
        body,
        grid=(blocks,),
        in_specs=[
            pl.BlockSpec((_TC_BLK, _IMAGE, _IMAGE),
                         lambda i: (start // _TC_BLK + i, 0, 0)),
            pl.BlockSpec((_PC, _IMAGE), lambda i: (0, 0)),
            pl.BlockSpec((_IMAGE, _PC), lambda i: (0, 0)),
        ],
        out_specs=pl.BlockSpec((_TC_BLK, _PC, _PC), lambda i: (i, 0, 0)),
        out_shape=jax.ShapeDtypeStruct((count, _PC, _PC), jnp.float32),
        compiler_params=pltpu.CompilerParams(
            dimension_semantics=("arbitrary",)),
    )(frames, wy, wxt)


def kernel(input):
    B, T, C, H, W = input.shape
    n_frames = B * T * C
    frames = input.reshape(n_frames, H, W)
    sc_n = min(_SC_FRAMES, n_frames)
    sc_out = _make_sc_sampler(sc_n)(frames)
    parts = [sc_out[:, :_NPTS]]
    if n_frames > sc_n:
        tc_out = _tc_matmul_half(frames, sc_n, n_frames - sc_n)
        parts.append(tc_out.reshape(n_frames - sc_n, _NPTS))
    res = jnp.concatenate(parts, axis=0).reshape(B, T, C, _NPTS)
    return (res, res)

# --- scband reference (transcript-rebuilt; emitter-appended) ---
"""Pipeline reference for scband-obsbot-observer-45543833207161 (READ-ONLY COPY).

The authoritative reference and input builder live on the scoring server;
editing this copy changes nothing except your own understanding.
"""

import jax, jax.numpy as jnp
import numpy as np

IMAGE_SIZE = 200
PC_SIZE = 50


def _xy_grid(height, width):
    x1 = jnp.linspace(0.0, 1.0, width)
    y1 = jnp.linspace(0.0, 1.0, height)
    Xg = jnp.broadcast_to(x1[None, :], (height, width))
    Yg = jnp.broadcast_to(y1[:, None], (height, width))
    return Xg, Yg


def _bilinear_interp(R, xpc, ypc):
    # R: [N, H, W] grid fields on regular [0,1]x[0,1] grid; xpc, ypc: [P] query coords in [0,1]
    N, H, W = R.shape
    gx = xpc * (W - 1)
    gy = ypc * (H - 1)
    ix0 = jnp.clip(jnp.floor(gx).astype(jnp.int32), 0, W - 1)
    iy0 = jnp.clip(jnp.floor(gy).astype(jnp.int32), 0, H - 1)
    ix1 = jnp.clip(ix0 + 1, 0, W - 1)
    iy1 = jnp.clip(iy0 + 1, 0, H - 1)
    wx = gx - ix0.astype(gx.dtype)
    wy = gy - iy0.astype(gy.dtype)
    Rf = R.reshape(N, H * W)
    v00 = jnp.take(Rf, iy0 * W + ix0, axis=1)
    v01 = jnp.take(Rf, iy0 * W + ix1, axis=1)
    v10 = jnp.take(Rf, iy1 * W + ix0, axis=1)
    v11 = jnp.take(Rf, iy1 * W + ix1, axis=1)
    return (v00 * (1.0 - wx) * (1.0 - wy)
            + v01 * wx * (1.0 - wy)
            + v10 * (1.0 - wx) * wy
            + v11 * wx * wy)


def setup_inputs(seed: int = 0) -> dict:
    key = jax.random.key(seed)
    inp = jax.random.normal(key, (16, 12, 1, IMAGE_SIZE, IMAGE_SIZE), dtype=jnp.float32)
    return {"input": inp}


def reference(input):
    B, T, C, H, W = input.shape
    # pc_initialize='regular': point cloud is a flattened PC_SIZE x PC_SIZE regular grid in [0,1]^2
    Xpc_g, Ypc_g = _xy_grid(PC_SIZE, PC_SIZE)
    xpc = Xpc_g.flatten()
    ypc = Ypc_g.flatten()
    npc = PC_SIZE * PC_SIZE
    # original loops over time calling observer per frame; vectorize over (B*T*C) frames (same math)
    Rf = input.reshape(B * T * C, H, W)
    # observer_t = observer_interp2d('bilinear')
    xout_t = _bilinear_interp(Rf, xpc, ypc).reshape(B, T, C, npc)
    # observer   = observer_interp2d('bilinear')  (observer_type='interp2d')
    xout = _bilinear_interp(Rf, xpc, ypc).reshape(B, T, C, npc)
    return (xout_t, xout)

if __name__ == "__main__":
    import jax
    _d = setup_inputs()
    print(jax.jit(kernel)(*tuple(_d.values())))

</pallas_src>

<mosaic_0001>
#map = affine_map<(d0, d1) -> (0, 0, 0)>
#map1 = affine_map<(d0, d1) -> (0, 0)>
module attributes {stable_mosaic.version = 14 : i64} {
  func.func @sampler(%arg0: i32, %arg1: i32, %arg2: memref<192x200x200xf32, #tpu.memory_space<hbm>>, %arg3: memref<96x2560xf32, #tpu.memory_space<hbm>>, %arg4: memref<200x200xf32, #tpu.memory_space<vmem>>, %arg5: memref<200x200xf32, #tpu.memory_space<vmem>>, %arg6: memref<2560xf32, #tpu.memory_space<vmem>>, %arg7: memref<!tpu.dma_semaphore, #tpu.memory_space<semaphore_mem>>, %arg8: memref<!tpu.dma_semaphore, #tpu.memory_space<semaphore_mem>>) attributes {dimension_semantics = [#tpu.dimension_semantics<core_parallel>, #tpu.dimension_semantics<subcore_parallel>], iteration_bounds = array<i64: 2, 16>, scalar_prefetch = 0 : i64, scratch_operands = 5 : i64, tpu.core_type = #tpu.core_type<sc_vector_subcore>, window_params = [{transform_indices = #map}, {transform_indices = #map1}]} {
    %mul3A = arith.constant 2 : i32
    %mul3A_0 = arith.muli %arg1, %mul3A : i32
    %add3A = arith.addi %mul3A_0, %arg0 : i32
    %mul3A_1 = arith.constant 3 : i32
    %mul3A_2 = arith.muli %add3A, %mul3A_1 : i32
    %iota3A = tpu.iota {dimensions = array<i32: 0>} : vector<16xi32>
    %dma_start3A = arith.constant 0 : i32
    %dma_start3A_3 = arith.constant 0 : i32
    %dma_start3A_4 = tpu.memref_slice %arg2[%mul3A_2, %dma_start3A, %dma_start3A_3] : memref<192x200x200xf32, #tpu.memory_space<hbm>> -> memref<1x200x200xf32, #tpu.memory_space<hbm>>
    %dma_start3A_5 = tpu.memref_squeeze %dma_start3A_4 : memref<1x200x200xf32, #tpu.memory_space<hbm>> -> memref<200x200xf32, #tpu.memory_space<hbm>>
    %dma_start3A_6 = arith.constant 0 : i32
    %dma_start3A_7 = arith.constant 0 : i32
    %dma_start3A_8 = tpu.memref_slice %arg2[%mul3A_2, %dma_start3A_6, %dma_start3A_7] : memref<192x200x200xf32, #tpu.memory_space<hbm>> -> memref<1x200x200xf32, #tpu.memory_space<hbm>>
    %dma_start3A_9 = tpu.memref_squeeze %dma_start3A_8 : memref<1x200x200xf32, #tpu.memory_space<hbm>> -> memref<200x200xf32, #tpu.memory_space<hbm>>
    tpu.enqueue_dma source(%dma_start3A_9 : memref<200x200xf32, #tpu.memory_space<hbm>>) target(%arg4 : memref<200x200xf32, #tpu.memory_space<vmem>>) target_semaphore(%arg7 : memref<!tpu.dma_semaphore, #tpu.memory_space<semaphore_mem>>)
    %add3A_10 = arith.constant 0 : i32
    %add3A_11 = arith.addi %mul3A_2, %add3A_10 : i32
    %add3A_12 = arith.constant 1 : i32
    %add3A_13 = arith.addi %add3A_11, %add3A_12 : i32
    %dma_start3A_14 = arith.constant 0 : i32
    %dma_start3A_15 = arith.constant 0 : i32
    %dma_start3A_16 = tpu.memref_slice %arg2[%add3A_13, %dma_start3A_14, %dma_start3A_15] : memref<192x200x200xf32, #tpu.memory_space<hbm>> -> memref<1x200x200xf32, #tpu.memory_space<hbm>>
    %dma_start3A_17 = tpu.memref_squeeze %dma_start3A_16 : memref<1x200x200xf32, #tpu.memory_space<hbm>> -> memref<200x200xf32, #tpu.memory_space<hbm>>
    %dma_start3A_18 = arith.constant 0 : i32
    %dma_start3A_19 = arith.constant 0 : i32
    %dma_start3A_20 = tpu.memref_slice %arg2[%add3A_13, %dma_start3A_18, %dma_start3A_19] : memref<192x200x200xf32, #tpu.memory_space<hbm>> -> memref<1x200x200xf32, #tpu.memory_space<hbm>>
    %dma_start3A_21 = tpu.memref_squeeze %dma_start3A_20 : memref<1x200x200xf32, #tpu.memory_space<hbm>> -> memref<200x200xf32, #tpu.memory_space<hbm>>
    tpu.enqueue_dma source(%dma_start3A_21 : memref<200x200xf32, #tpu.memory_space<hbm>>) target(%arg5 : memref<200x200xf32, #tpu.memory_space<vmem>>) target_semaphore(%arg8 : memref<!tpu.dma_semaphore, #tpu.memory_space<semaphore_mem>>)
    %dma_wait3A = arith.constant 0 : i32
    %dma_wait3A_22 = arith.constant 0 : i32
    %dma_wait3A_23 = tpu.memref_slice %arg2[%mul3A_2, %dma_wait3A, %dma_wait3A_22] : memref<192x200x200xf32, #tpu.memory_space<hbm>> -> memref<1x200x200xf32, #tpu.memory_space<hbm>>
    %dma_wait3A_24 = tpu.memref_squeeze %dma_wait3A_23 : memref<1x200x200xf32, #tpu.memory_space<hbm>> -> memref<200x200xf32, #tpu.memory_space<hbm>>
    %dma_wait3A_25 = arith.constant 0 : i32
    %dma_wait3A_26 = arith.constant 0 : i32
    %dma_wait3A_27 = tpu.memref_slice %arg2[%mul3A_2, %dma_wait3A_25, %dma_wait3A_26] : memref<192x200x200xf32, #tpu.memory_space<hbm>> -> memref<1x200x200xf32, #tpu.memory_space<hbm>>
    %dma_wait3A_28 = tpu.memref_squeeze %dma_wait3A_27 : memref<1x200x200xf32, #tpu.memory_space<hbm>> -> memref<200x200xf32, #tpu.memory_space<hbm>>
    tpu.wait_dma2 semaphore(%arg7 : memref<!tpu.dma_semaphore, #tpu.memory_space<semaphore_mem>>) src(%dma_wait3A_28 : memref<200x200xf32, #tpu.memory_space<hbm>>) dst(%arg4 : memref<200x200xf32, #tpu.memory_space<vmem>>)
    %parallel_loop3A = arith.constant 0 : i32
    %parallel_loop3A_29 = arith.constant 160 : i32
    %parallel_loop3A_30 = arith.constant 1 : i32
    scf.for %parallel_loop3A_71 = %parallel_loop3A to %parallel_loop3A_29 step %parallel_loop3A_30  : i32 {
      %parallel_loop3A_72 = arith.constant 16 : i32
      %parallel_loop3A_73 = arith.muli %parallel_loop3A_71, %parallel_loop3A_72 : i32
      %parallel_loop3A_74 = vector.broadcast %parallel_loop3A_73 : i32 to vector<16xi32>
      %parallel_loop3A_75 = arith.addi %parallel_loop3A_74, %iota3A : vector<16xi32>
      %parallel_loop3A_76 = arith.constant 1311 : i32
      %parallel_loop3A_77 = vector.broadcast %parallel_loop3A_76 : i32 to vector<16xi32>
      %parallel_loop3A_78 = arith.muli %parallel_loop3A_75, %parallel_loop3A_77 : vector<16xi32>
      %parallel_loop3A_79 = arith.constant 16 : i32
      %parallel_loop3A_80 = vector.broadcast %parallel_loop3A_79 : i32 to vector<16xi32>
      %parallel_loop3A_81 = arith.shrsi %parallel_loop3A_78, %parallel_loop3A_80 : vector<16xi32>
      %parallel_loop3A_82 = arith.constant 50 : i32
      %parallel_loop3A_83 = vector.broadcast %parallel_loop3A_82 : i32 to vector<16xi32>
      %parallel_loop3A_84 = arith.muli %parallel_loop3A_81, %parallel_loop3A_83 : vector<16xi32>
      %parallel_loop3A_85 = arith.subi %parallel_loop3A_75, %parallel_loop3A_84 : vector<16xi32>
      %parallel_loop3A_86 = arith.sitofp %parallel_loop3A_85 : vector<16xi32> to vector<16xf32>
      %parallel_loop3A_87 = arith.constant 4.900000e+01 : f32
      %parallel_loop3A_88 = vector.broadcast %parallel_loop3A_87 : f32 to vector<16xf32>
      %parallel_loop3A_89 = arith.divf %parallel_loop3A_86, %parallel_loop3A_88 : vector<16xf32>
      %parallel_loop3A_90 = arith.constant 1.990000e+02 : f32
      %parallel_loop3A_91 = vector.broadcast %parallel_loop3A_90 : f32 to vector<16xf32>
      %parallel_loop3A_92 = arith.mulf %parallel_loop3A_89, %parallel_loop3A_91 : vector<16xf32>
      %parallel_loop3A_93 = arith.sitofp %parallel_loop3A_81 : vector<16xi32> to vector<16xf32>
      %parallel_loop3A_94 = arith.constant 4.900000e+01 : f32
      %parallel_loop3A_95 = vector.broadcast %parallel_loop3A_94 : f32 to vector<16xf32>
      %parallel_loop3A_96 = arith.divf %parallel_loop3A_93, %parallel_loop3A_95 : vector<16xf32>
      %parallel_loop3A_97 = arith.constant 1.990000e+02 : f32
      %parallel_loop3A_98 = vector.broadcast %parallel_loop3A_97 : f32 to vector<16xf32>
      %parallel_loop3A_99 = arith.mulf %parallel_loop3A_96, %parallel_loop3A_98 : vector<16xf32>
      %parallel_loop3A_100 = arith.fptosi %parallel_loop3A_92 : vector<16xf32> to vector<16xi32>
      %parallel_loop3A_101 = arith.constant 199 : i32
      %parallel_loop3A_102 = vector.broadcast %parallel_loop3A_101 : i32 to vector<16xi32>
      %parallel_loop3A_103 = arith.minsi %parallel_loop3A_100, %parallel_loop3A_102 : vector<16xi32>
      %parallel_loop3A_104 = arith.fptosi %parallel_loop3A_99 : vector<16xf32> to vector<16xi32>
      %parallel_loop3A_105 = arith.constant 199 : i32
      %parallel_loop3A_106 = vector.broadcast %parallel_loop3A_105 : i32 to vector<16xi32>
      %parallel_loop3A_107 = arith.minsi %parallel_loop3A_104, %parallel_loop3A_106 : vector<16xi32>
      %parallel_loop3A_108 = arith.constant 1 : i32
      %parallel_loop3A_109 = vector.broadcast %parallel_loop3A_108 : i32 to vector<16xi32>
      %parallel_loop3A_110 = arith.addi %parallel_loop3A_103, %parallel_loop3A_109 : vector<16xi32>
      %parallel_loop3A_111 = arith.constant 199 : i32
      %parallel_loop3A_112 = vector.broadcast %parallel_loop3A_111 : i32 to vector<16xi32>
      %parallel_loop3A_113 = arith.minsi %parallel_loop3A_110, %parallel_loop3A_112 : vector<16xi32>
      %parallel_loop3A_114 = arith.constant 1 : i32
      %parallel_loop3A_115 = vector.broadcast %parallel_loop3A_114 : i32 to vector<16xi32>
      %parallel_loop3A_116 = arith.addi %parallel_loop3A_107, %parallel_loop3A_115 : vector<16xi32>
      %parallel_loop3A_117 = arith.constant 199 : i32
      %parallel_loop3A_118 = vector.broadcast %parallel_loop3A_117 : i32 to vector<16xi32>
      %parallel_loop3A_119 = arith.minsi %parallel_loop3A_116, %parallel_loop3A_118 : vector<16xi32>
      %parallel_loop3A_120 = arith.sitofp %parallel_loop3A_103 : vector<16xi32> to vector<16xf32>
      %parallel_loop3A_121 = arith.subf %parallel_loop3A_92, %parallel_loop3A_120 : vector<16xf32>
      %parallel_loop3A_122 = arith.sitofp %parallel_loop3A_107 : vector<16xi32> to vector<16xf32>
      %parallel_loop3A_123 = arith.subf %parallel_loop3A_99, %parallel_loop3A_122 : vector<16xf32>
      %parallel_loop3A_124 = tpu.vector_load_idx %arg4[%parallel_loop3A_107, %parallel_loop3A_103] : memref<200x200xf32, #tpu.memory_space<vmem>>[vector<16xi32>, vector<16xi32>], vector<16xf32>,
      %parallel_loop3A_125 = tpu.vector_load_idx %arg4[%parallel_loop3A_107, %parallel_loop3A_113] : memref<200x200xf32, #tpu.memory_space<vmem>>[vector<16xi32>, vector<16xi32>], vector<16xf32>,
      %parallel_loop3A_126 = tpu.vector_load_idx %arg4[%parallel_loop3A_119, %parallel_loop3A_103] : memref<200x200xf32, #tpu.memory_space<vmem>>[vector<16xi32>, vector<16xi32>], vector<16xf32>,
      %parallel_loop3A_127 = tpu.vector_load_idx %arg4[%parallel_loop3A_119, %parallel_loop3A_113] : memref<200x200xf32, #tpu.memory_space<vmem>>[vector<16xi32>, vector<16xi32>], vector<16xf32>,
      %parallel_loop3A_128 = arith.constant 1.000000e+00 : f32
      %parallel_loop3A_129 = vector.broadcast %parallel_loop3A_128 : f32 to vector<16xf32>
      %parallel_loop3A_130 = arith.subf %parallel_loop3A_129, %parallel_loop3A_121 : vector<16xf32>
      %parallel_loop3A_131 = arith.mulf %parallel_loop3A_124, %parallel_loop3A_130 : vector<16xf32>
      %parallel_loop3A_132 = arith.constant 1.000000e+00 : f32
      %parallel_loop3A_133 = vector.broadcast %parallel_loop3A_132 : f32 to vector<16xf32>
      %parallel_loop3A_134 = arith.subf %parallel_loop3A_133, %parallel_loop3A_123 : vector<16xf32>
      %parallel_loop3A_135 = arith.mulf %parallel_loop3A_131, %parallel_loop3A_134 : vector<16xf32>
      %parallel_loop3A_136 = arith.mulf %parallel_loop3A_125, %parallel_loop3A_121 : vector<16xf32>
      %parallel_loop3A_137 = arith.constant 1.000000e+00 : f32
      %parallel_loop3A_138 = vector.broadcast %parallel_loop3A_137 : f32 to vector<16xf32>
      %parallel_loop3A_139 = arith.subf %parallel_loop3A_138, %parallel_loop3A_123 : vector<16xf32>
      %parallel_loop3A_140 = arith.mulf %parallel_loop3A_136, %parallel_loop3A_139 : vector<16xf32>
      %parallel_loop3A_141 = arith.addf %parallel_loop3A_135, %parallel_loop3A_140 : vector<16xf32>
      %parallel_loop3A_142 = arith.constant 1.000000e+00 : f32
      %parallel_loop3A_143 = vector.broadcast %parallel_loop3A_142 : f32 to vector<16xf32>
      %parallel_loop3A_144 = arith.subf %parallel_loop3A_143, %parallel_loop3A_121 : vector<16xf32>
      %parallel_loop3A_145 = arith.mulf %parallel_loop3A_126, %parallel_loop3A_144 : vector<16xf32>
      %parallel_loop3A_146 = arith.mulf %parallel_loop3A_145, %parallel_loop3A_123 : vector<16xf32>
      %parallel_loop3A_147 = arith.addf %parallel_loop3A_141, %parallel_loop3A_146 : vector<16xf32>
      %parallel_loop3A_148 = arith.mulf %parallel_loop3A_127, %parallel_loop3A_121 : vector<16xf32>
      %parallel_loop3A_149 = arith.mulf %parallel_loop3A_148, %parallel_loop3A_123 : vector<16xf32>
      %parallel_loop3A_150 = arith.addf %parallel_loop3A_147, %parallel_loop3A_149 : vector<16xf32>
      %parallel_loop3A_151 = arith.constant 16 : i32
      %parallel_loop3A_152 = arith.muli %parallel_loop3A_71, %parallel_loop3A_151 : i32
      %parallel_loop3A_153 = arith.index_cast %parallel_loop3A_152 : i32 to index
      %parallel_loop3A_154 = tpu.vector_load %arg6[%parallel_loop3A_153] {strides = array<i32>} : memref<2560xf32, #tpu.memory_space<vmem>>, vector<16xf32>,
      tpu.vector_store %arg6[%parallel_loop3A_153], %parallel_loop3A_150 {strides = array<i32>} : memref<2560xf32, #tpu.memory_space<vmem>>, vector<16xf32>,
    } {sc.loop_unroll_factor = 4 : i64, sc.parallel_access}
    %add3A_31 = arith.constant 0 : i32
    %add3A_32 = arith.addi %mul3A_2, %add3A_31 : i32
    "tpu.region"() ({
      %run_scoped3A = tpu.sem_alloc : memref<!tpu.dma_semaphore, #tpu.memory_space<semaphore_mem>>
      %dma_start3A_71 = arith.constant 0 : i32
      %dma_start3A_72 = tpu.memref_slice %arg3[%add3A_32, %dma_start3A_71] : memref<96x2560xf32, #tpu.memory_space<hbm>> -> memref<1x2560xf32, #tpu.memory_space<hbm>>
      %dma_start3A_73 = tpu.memref_squeeze %dma_start3A_72 : memref<1x2560xf32, #tpu.memory_space<hbm>> -> memref<2560xf32, #tpu.memory_space<hbm>>
      %dma_start3A_74 = arith.constant 0 : i32
      %dma_start3A_75 = tpu.memref_slice %arg3[%add3A_32, %dma_start3A_74] : memref<96x2560xf32, #tpu.memory_space<hbm>> -> memref<1x2560xf32, #tpu.memory_space<hbm>>
      %dma_start3A_76 = tpu.memref_squeeze %dma_start3A_75 : memref<1x2560xf32, #tpu.memory_space<hbm>> -> memref<2560xf32, #tpu.memory_space<hbm>>
      tpu.enqueue_dma source(%arg6 : memref<2560xf32, #tpu.memory_space<vmem>>) target(%dma_start3A_76 : memref<2560xf32, #tpu.memory_space<hbm>>) target_semaphore(%run_scoped3A : memref<!tpu.dma_semaphore, #tpu.memory_space<semaphore_mem>>)
      %dma_wait3A_77 = arith.constant 0 : i32
      %dma_wait3A_78 = tpu.memref_slice %arg3[%add3A_32, %dma_wait3A_77] : memref<96x2560xf32, #tpu.memory_space<hbm>> -> memref<1x2560xf32, #tpu.memory_space<hbm>>
      %dma_wait3A_79 = tpu.memref_squeeze %dma_wait3A_78 : memref<1x2560xf32, #tpu.memory_space<hbm>> -> memref<2560xf32, #tpu.memory_space<hbm>>
      %dma_wait3A_80 = arith.constant 0 : i32
      %dma_wait3A_81 = tpu.memref_slice %arg3[%add3A_32, %dma_wait3A_80] : memref<96x2560xf32, #tpu.memory_space<hbm>> -> memref<1x2560xf32, #tpu.memory_space<hbm>>
      %dma_wait3A_82 = tpu.memref_squeeze %dma_wait3A_81 : memref<1x2560xf32, #tpu.memory_space<hbm>> -> memref<2560xf32, #tpu.memory_space<hbm>>
      tpu.wait_dma2 semaphore(%run_scoped3A : memref<!tpu.dma_semaphore, #tpu.memory_space<semaphore_mem>>) src(%arg6 : memref<2560xf32, #tpu.memory_space<vmem>>) dst(%dma_wait3A_82 : memref<2560xf32, #tpu.memory_space<hbm>>)
      tpu.yield
    }) : () -> ()
    %add3A_33 = arith.constant 1 : i32
    %add3A_34 = arith.addi %mul3A_2, %add3A_33 : i32
    %add3A_35 = arith.constant 1 : i32
    %add3A_36 = arith.addi %add3A_34, %add3A_35 : i32
    %dma_start3A_37 = arith.constant 0 : i32
    %dma_start3A_38 = arith.constant 0 : i32
    %dma_start3A_39 = tpu.memref_slice %arg2[%add3A_36, %dma_start3A_37, %dma_start3A_38] : memref<192x200x200xf32, #tpu.memory_space<hbm>> -> memref<1x200x200xf32, #tpu.memory_space<hbm>>
    %dma_start3A_40 = tpu.memref_squeeze %dma_start3A_39 : memref<1x200x200xf32, #tpu.memory_space<hbm>> -> memref<200x200xf32, #tpu.memory_space<hbm>>
    %dma_start3A_41 = arith.constant 0 : i32
    %dma_start3A_42 = arith.constant 0 : i32
    %dma_start3A_43 = tpu.memref_slice %arg2[%add3A_36, %dma_start3A_41, %dma_start3A_42] : memref<192x200x200xf32, #tpu.memory_space<hbm>> -> memref<1x200x200xf32, #tpu.memory_space<hbm>>
    %dma_start3A_44 = tpu.memref_squeeze %dma_start3A_43 : memref<1x200x200xf32, #tpu.memory_space<hbm>> -> memref<200x200xf32, #tpu.memory_space<hbm>>
    tpu.enqueue_dma source(%dma_start3A_44 : memref<200x200xf32, #tpu.memory_space<hbm>>) target(%arg4 : memref<200x200xf32, #tpu.memory_space<vmem>>) target_semaphore(%arg7 : memref<!tpu.dma_semaphore, #tpu.memory_space<semaphore_mem>>)
    %dma_wait3A_45 = arith.constant 0 : i32
    %dma_wait3A_46 = arith.constant 0 : i32
    %dma_wait3A_47 = tpu.memref_slice %arg2[%add3A_13, %dma_wait3A_45, %dma_wait3A_46] : memref<192x200x200xf32, #tpu.memory_space<hbm>> -> memref<1x200x200xf32, #tpu.memory_space<hbm>>
    %dma_wait3A_48 = tpu.memref_squeeze %dma_wait3A_47 : memref<1x200x200xf32, #tpu.memory_space<hbm>> -> memref<200x200xf32, #tpu.memory_space<hbm>>
    %dma_wait3A_49 = arith.constant 0 : i32
    %dma_wait3A_50 = arith.constant 0 : i32
    %dma_wait3A_51 = tpu.memref_slice %arg2[%add3A_13, %dma_wait3A_49, %dma_wait3A_50] : memref<192x200x200xf32, #tpu.memory_space<hbm>> -> memref<1x200x200xf32, #tpu.memory_space<hbm>>
    %dma_wait3A_52 = tpu.memref_squeeze %dma_wait3A_51 : memref<1x200x200xf32, #tpu.memory_space<hbm>> -> memref<200x200xf32, #tpu.memory_space<hbm>>
    tpu.wait_dma2 semaphore(%arg8 : memref<!tpu.dma_semaphore, #tpu.memory_space<semaphore_mem>>) src(%dma_wait3A_52 : memref<200x200xf32, #tpu.memory_space<hbm>>) dst(%arg5 : memref<200x200xf32, #tpu.memory_space<vmem>>)
    %parallel_loop3A_53 = arith.constant 0 : i32
    %parallel_loop3A_54 = arith.constant 160 : i32
    %parallel_loop3A_55 = arith.constant 1 : i32
    scf.for %parallel_loop3A_71 = %parallel_loop3A_53 to %parallel_loop3A_54 step %parallel_loop3A_55  : i32 {
      %parallel_loop3A_72 = arith.constant 16 : i32
      %parallel_loop3A_73 = arith.muli %parallel_loop3A_71, %parallel_loop3A_72 : i32
      %parallel_loop3A_74 = vector.broadcast %parallel_loop3A_73 : i32 to vector<16xi32>
      %parallel_loop3A_75 = arith.addi %parallel_loop3A_74, %iota3A : vector<16xi32>
      %parallel_loop3A_76 = arith.constant 1311 : i32
      %parallel_loop3A_77 = vector.broadcast %parallel_loop3A_76 : i32 to vector<16xi32>
      %parallel_loop3A_78 = arith.muli %parallel_loop3A_75, %parallel_loop3A_77 : vector<16xi32>
      %parallel_loop3A_79 = arith.constant 16 : i32
      %parallel_loop3A_80 = vector.broadcast %parallel_loop3A_79 : i32 to vector<16xi32>
      %parallel_loop3A_81 = arith.shrsi %parallel_loop3A_78, %parallel_loop3A_80 : vector<16xi32>
      %parallel_loop3A_82 = arith.constant 50 : i32
      %parallel_loop3A_83 = vector.broadcast %parallel_loop3A_82 : i32 to vector<16xi32>
      %parallel_loop3A_84 = arith.muli %parallel_loop3A_81, %parallel_loop3A_83 : vector<16xi32>
      %parallel_loop3A_85 = arith.subi %parallel_loop3A_75, %parallel_loop3A_84 : vector<16xi32>
      %parallel_loop3A_86 = arith.sitofp %parallel_loop3A_85 : vector<16xi32> to vector<16xf32>
      %parallel_loop3A_87 = arith.constant 4.900000e+01 : f32
      %parallel_loop3A_88 = vector.broadcast %parallel_loop3A_87 : f32 to vector<16xf32>
      %parallel_loop3A_89 = arith.divf %parallel_loop3A_86, %parallel_loop3A_88 : vector<16xf32>
      %parallel_loop3A_90 = arith.constant 1.990000e+02 : f32
      %parallel_loop3A_91 = vector.broadcast %parallel_loop3A_90 : f32 to vector<16xf32>
      %parallel_loop3A_92 = arith.mulf %parallel_loop3A_89, %parallel_loop3A_91 : vector<16xf32>
      %parallel_loop3A_93 = arith.sitofp %parallel_loop3A_81 : vector<16xi32> to vector<16xf32>
      %parallel_loop3A_94 = arith.constant 4.900000e+01 : f32
      %parallel_loop3A_95 = vector.broadcast %parallel_loop3A_94 : f32 to vector<16xf32>
      %parallel_loop3A_96 = arith.divf %parallel_loop3A_93, %parallel_loop3A_95 : vector<16xf32>
      %parallel_loop3A_97 = arith.constant 1.990000e+02 : f32
      %parallel_loop3A_98 = vector.broadcast %parallel_loop3A_97 : f32 to vector<16xf32>
      %parallel_loop3A_99 = arith.mulf %parallel_loop3A_96, %parallel_loop3A_98 : vector<16xf32>
      %parallel_loop3A_100 = arith.fptosi %parallel_loop3A_92 : vector<16xf32> to vector<16xi32>
      %parallel_loop3A_101 = arith.constant 199 : i32
      %parallel_loop3A_102 = vector.broadcast %parallel_loop3A_101 : i32 to vector<16xi32>
      %parallel_loop3A_103 = arith.minsi %parallel_loop3A_100, %parallel_loop3A_102 : vector<16xi32>
      %parallel_loop3A_104 = arith.fptosi %parallel_loop3A_99 : vector<16xf32> to vector<16xi32>
      %parallel_loop3A_105 = arith.constant 199 : i32
      %parallel_loop3A_106 = vector.broadcast %parallel_loop3A_105 : i32 to vector<16xi32>
      %parallel_loop3A_107 = arith.minsi %parallel_loop3A_104, %parallel_loop3A_106 : vector<16xi32>
      %parallel_loop3A_108 = arith.constant 1 : i32
      %parallel_loop3A_109 = vector.broadcast %parallel_loop3A_108 : i32 to vector<16xi32>
      %parallel_loop3A_110 = arith.addi %parallel_loop3A_103, %parallel_loop3A_109 : vector<16xi32>
      %parallel_loop3A_111 = arith.constant 199 : i32
      %parallel_loop3A_112 = vector.broadcast %parallel_loop3A_111 : i32 to vector<16xi32>
      %parallel_loop3A_113 = arith.minsi %parallel_loop3A_110, %parallel_loop3A_112 : vector<16xi32>
      %parallel_loop3A_114 = arith.constant 1 : i32
      %parallel_loop3A_115 = vector.broadcast %parallel_loop3A_114 : i32 to vector<16xi32>
      %parallel_loop3A_116 = arith.addi %parallel_loop3A_107, %parallel_loop3A_115 : vector<16xi32>
      %parallel_loop3A_117 = arith.constant 199 : i32
      %parallel_loop3A_118 = vector.broadcast %parallel_loop3A_117 : i32 to vector<16xi32>
      %parallel_loop3A_119 = arith.minsi %parallel_loop3A_116, %parallel_loop3A_118 : vector<16xi32>
      %parallel_loop3A_120 = arith.sitofp %parallel_loop3A_103 : vector<16xi32> to vector<16xf32>
      %parallel_loop3A_121 = arith.subf %parallel_loop3A_92, %parallel_loop3A_120 : vector<16xf32>
      %parallel_loop3A_122 = arith.sitofp %parallel_loop3A_107 : vector<16xi32> to vector<16xf32>
      %parallel_loop3A_123 = arith.subf %parallel_loop3A_99, %parallel_loop3A_122 : vector<16xf32>
      %parallel_loop3A_124 = tpu.vector_load_idx %arg5[%parallel_loop3A_107, %parallel_loop3A_103] : memref<200x200xf32, #tpu.memory_space<vmem>>[vector<16xi32>, vector<16xi32>], vector<16xf32>,
      %parallel_loop3A_125 = tpu.vector_load_idx %arg5[%parallel_loop3A_107, %parallel_loop3A_113] : memref<200x200xf32, #tpu.memory_space<vmem>>[vector<16xi32>, vector<16xi32>], vector<16xf32>,
      %parallel_loop3A_126 = tpu.vector_load_idx %arg5[%parallel_loop3A_119, %parallel_loop3A_103] : memref<200x200xf32, #tpu.memory_space<vmem>>[vector<16xi32>, vector<16xi32>], vector<16xf32>,
      %parallel_loop3A_127 = tpu.vector_load_idx %arg5[%parallel_loop3A_119, %parallel_loop3A_113] : memref<200x200xf32, #tpu.memory_space<vmem>>[vector<16xi32>, vector<16xi32>], vector<16xf32>,
      %parallel_loop3A_128 = arith.constant 1.000000e+00 : f32
      %parallel_loop3A_129 = vector.broadcast %parallel_loop3A_128 : f32 to vector<16xf32>
      %parallel_loop3A_130 = arith.subf %parallel_loop3A_129, %parallel_loop3A_121 : vector<16xf32>
      %parallel_loop3A_131 = arith.mulf %parallel_loop3A_124, %parallel_loop3A_130 : vector<16xf32>
      %parallel_loop3A_132 = arith.constant 1.000000e+00 : f32
      %parallel_loop3A_133 = vector.broadcast %parallel_loop3A_132 : f32 to vector<16xf32>
      %parallel_loop3A_134 = arith.subf %parallel_loop3A_133, %parallel_loop3A_123 : vector<16xf32>
      %parallel_loop3A_135 = arith.mulf %parallel_loop3A_131, %parallel_loop3A_134 : vector<16xf32>
      %parallel_loop3A_136 = arith.mulf %parallel_loop3A_125, %parallel_loop3A_121 : vector<16xf32>
      %parallel_loop3A_137 = arith.constant 1.000000e+00 : f32
      %parallel_loop3A_138 = vector.broadcast %parallel_loop3A_137 : f32 to vector<16xf32>
      %parallel_loop3A_139 = arith.subf %parallel_loop3A_138, %parallel_loop3A_123 : vector<16xf32>
      %parallel_loop3A_140 = arith.mulf %parallel_loop3A_136, %parallel_loop3A_139 : vector<16xf32>
      %parallel_loop3A_141 = arith.addf %parallel_loop3A_135, %parallel_loop3A_140 : vector<16xf32>
      %parallel_loop3A_142 = arith.constant 1.000000e+00 : f32
      %parallel_loop3A_143 = vector.broadcast %parallel_loop3A_142 : f32 to vector<16xf32>
      %parallel_loop3A_144 = arith.subf %parallel_loop3A_143, %parallel_loop3A_121 : vector<16xf32>
      %parallel_loop3A_145 = arith.mulf %parallel_loop3A_126, %parallel_loop3A_144 : vector<16xf32>
      %parallel_loop3A_146 = arith.mulf %parallel_loop3A_145, %parallel_loop3A_123 : vector<16xf32>
      %parallel_loop3A_147 = arith.addf %parallel_loop3A_141, %parallel_loop3A_146 : vector<16xf32>
      %parallel_loop3A_148 = arith.mulf %parallel_loop3A_127, %parallel_loop3A_121 : vector<16xf32>
      %parallel_loop3A_149 = arith.mulf %parallel_loop3A_148, %parallel_loop3A_123 : vector<16xf32>
      %parallel_loop3A_150 = arith.addf %parallel_loop3A_147, %parallel_loop3A_149 : vector<16xf32>
      %parallel_loop3A_151 = arith.constant 16 : i32
      %parallel_loop3A_152 = arith.muli %parallel_loop3A_71, %parallel_loop3A_151 : i32
      %parallel_loop3A_153 = arith.index_cast %parallel_loop3A_152 : i32 to index
      %parallel_loop3A_154 = tpu.vector_load %arg6[%parallel_loop3A_153] {strides = array<i32>} : memref<2560xf32, #tpu.memory_space<vmem>>, vector<16xf32>,
      tpu.vector_store %arg6[%parallel_loop3A_153], %parallel_loop3A_150 {strides = array<i32>} : memref<2560xf32, #tpu.memory_space<vmem>>, vector<16xf32>,
    } {sc.loop_unroll_factor = 4 : i64, sc.parallel_access}
    %add3A_56 = arith.constant 1 : i32
    %add3A_57 = arith.addi %mul3A_2, %add3A_56 : i32
    "tpu.region"() ({
      %run_scoped3A = tpu.sem_alloc : memref<!tpu.dma_semaphore, #tpu.memory_space<semaphore_mem>>
      %dma_start3A_71 = arith.constant 0 : i32
      %dma_start3A_72 = tpu.memref_slice %arg3[%add3A_57, %dma_start3A_71] : memref<96x2560xf32, #tpu.memory_space<hbm>> -> memref<1x2560xf32, #tpu.memory_space<hbm>>
      %dma_start3A_73 = tpu.memref_squeeze %dma_start3A_72 : memref<1x2560xf32, #tpu.memory_space<hbm>> -> memref<2560xf32, #tpu.memory_space<hbm>>
      %dma_start3A_74 = arith.constant 0 : i32
      %dma_start3A_75 = tpu.memref_slice %arg3[%add3A_57, %dma_start3A_74] : memref<96x2560xf32, #tpu.memory_space<hbm>> -> memref<1x2560xf32, #tpu.memory_space<hbm>>
      %dma_start3A_76 = tpu.memref_squeeze %dma_start3A_75 : memref<1x2560xf32, #tpu.memory_space<hbm>> -> memref<2560xf32, #tpu.memory_space<hbm>>
      tpu.enqueue_dma source(%arg6 : memref<2560xf32, #tpu.memory_space<vmem>>) target(%dma_start3A_76 : memref<2560xf32, #tpu.memory_space<hbm>>) target_semaphore(%run_scoped3A : memref<!tpu.dma_semaphore, #tpu.memory_space<semaphore_mem>>)
      %dma_wait3A_77 = arith.constant 0 : i32
      %dma_wait3A_78 = tpu.memref_slice %arg3[%add3A_57, %dma_wait3A_77] : memref<96x2560xf32, #tpu.memory_space<hbm>> -> memref<1x2560xf32, #tpu.memory_space<hbm>>
      %dma_wait3A_79 = tpu.memref_squeeze %dma_wait3A_78 : memref<1x2560xf32, #tpu.memory_space<hbm>> -> memref<2560xf32, #tpu.memory_space<hbm>>
      %dma_wait3A_80 = arith.constant 0 : i32
      %dma_wait3A_81 = tpu.memref_slice %arg3[%add3A_57, %dma_wait3A_80] : memref<96x2560xf32, #tpu.memory_space<hbm>> -> memref<1x2560xf32, #tpu.memory_space<hbm>>
      %dma_wait3A_82 = tpu.memref_squeeze %dma_wait3A_81 : memref<1x2560xf32, #tpu.memory_space<hbm>> -> memref<2560xf32, #tpu.memory_space<hbm>>
      tpu.wait_dma2 semaphore(%run_scoped3A : memref<!tpu.dma_semaphore, #tpu.memory_space<semaphore_mem>>) src(%arg6 : memref<2560xf32, #tpu.memory_space<vmem>>) dst(%dma_wait3A_82 : memref<2560xf32, #tpu.memory_space<hbm>>)
      tpu.yield
    }) : () -> ()
    %dma_wait3A_58 = arith.constant 0 : i32
    %dma_wait3A_59 = arith.constant 0 : i32
    %dma_wait3A_60 = tpu.memref_slice %arg2[%add3A_36, %dma_wait3A_58, %dma_wait3A_59] : memref<192x200x200xf32, #tpu.memory_space<hbm>> -> memref<1x200x200xf32, #tpu.memory_space<hbm>>
    %dma_wait3A_61 = tpu.memref_squeeze %dma_wait3A_60 : memref<1x200x200xf32, #tpu.memory_space<hbm>> -> memref<200x200xf32, #tpu.memory_space<hbm>>
    %dma_wait3A_62 = arith.constant 0 : i32
    %dma_wait3A_63 = arith.constant 0 : i32
    %dma_wait3A_64 = tpu.memref_slice %arg2[%add3A_36, %dma_wait3A_62, %dma_wait3A_63] : memref<192x200x200xf32, #tpu.memory_space<hbm>> -> memref<1x200x200xf32, #tpu.memory_space<hbm>>
    %dma_wait3A_65 = tpu.memref_squeeze %dma_wait3A_64 : memref<1x200x200xf32, #tpu.memory_space<hbm>> -> memref<200x200xf32, #tpu.memory_space<hbm>>
    tpu.wait_dma2 semaphore(%arg7 : memref<!tpu.dma_semaphore, #tpu.memory_space<semaphore_mem>>) src(%dma_wait3A_65 : memref<200x200xf32, #tpu.memory_space<hbm>>) dst(%arg4 : memref<200x200xf32, #tpu.memory_space<vmem>>)
    %parallel_loop3A_66 = arith.constant 0 : i32
    %parallel_loop3A_67 = arith.constant 160 : i32
    %parallel_loop3A_68 = arith.constant 1 : i32
    scf.for %parallel_loop3A_71 = %parallel_loop3A_66 to %parallel_loop3A_67 step %parallel_loop3A_68  : i32 {
      %parallel_loop3A_72 = arith.constant 16 : i32
      %parallel_loop3A_73 = arith.muli %parallel_loop3A_71, %parallel_loop3A_72 : i32
      %parallel_loop3A_74 = vector.broadcast %parallel_loop3A_73 : i32 to vector<16xi32>
      %parallel_loop3A_75 = arith.addi %parallel_loop3A_74, %iota3A : vector<16xi32>
      %parallel_loop3A_76 = arith.constant 1311 : i32
      %parallel_loop3A_77 = vector.broadcast %parallel_loop3A_76 : i32 to vector<16xi32>
      %parallel_loop3A_78 = arith.muli %parallel_loop3A_75, %parallel_loop3A_77 : vector<16xi32>
      %parallel_loop3A_79 = arith.constant 16 : i32
      %parallel_loop3A_80 = vector.broadcast %parallel_loop3A_79 : i32 to vector<16xi32>
      %parallel_loop3A_81 = arith.shrsi %parallel_loop3A_78, %parallel_loop3A_80 : vector<16xi32>
      %parallel_loop3A_82 = arith.constant 50 : i32
      %parallel_loop3A_83 = vector.broadcast %parallel_loop3A_82 : i32 to vector<16xi32>
      %parallel_loop3A_84 = arith.muli %parallel_loop3A_81, %parallel_loop3A_83 : vector<16xi32>
      %parallel_loop3A_85 = arith.subi %parallel_loop3A_75, %parallel_loop3A_84 : vector<16xi32>
      %parallel_loop3A_86 = arith.sitofp %parallel_loop3A_85 : vector<16xi32> to vector<16xf32>
      %parallel_loop3A_87 = arith.constant 4.900000e+01 : f32
      %parallel_loop3A_88 = vector.broadcast %parallel_loop3A_87 : f32 to vector<16xf32>
      %parallel_loop3A_89 = arith.divf %parallel_loop3A_86, %parallel_loop3A_88 : vector<16xf32>
      %parallel_loop3A_90 = arith.constant 1.990000e+02 : f32
      %parallel_loop3A_91 = vector.broadcast %parallel_loop3A_90 : f32 to vector<16xf32>
      %parallel_loop3A_92 = arith.mulf %parallel_loop3A_89, %parallel_loop3A_91 : vector<16xf32>
      %parallel_loop3A_93 = arith.sitofp %parallel_loop3A_81 : vector<16xi32> to vector<16xf32>
      %parallel_loop3A_94 = arith.constant 4.900000e+01 : f32
      %parallel_loop3A_95 = vector.broadcast %parallel_loop3A_94 : f32 to vector<16xf32>
      %parallel_loop3A_96 = arith.divf %parallel_loop3A_93, %parallel_loop3A_95 : vector<16xf32>
      %parallel_loop3A_97 = arith.constant 1.990000e+02 : f32
      %parallel_loop3A_98 = vector.broadcast %parallel_loop3A_97 : f32 to vector<16xf32>
      %parallel_loop3A_99 = arith.mulf %parallel_loop3A_96, %parallel_loop3A_98 : vector<16xf32>
      %parallel_loop3A_100 = arith.fptosi %parallel_loop3A_92 : vector<16xf32> to vector<16xi32>
      %parallel_loop3A_101 = arith.constant 199 : i32
      %parallel_loop3A_102 = vector.broadcast %parallel_loop3A_101 : i32 to vector<16xi32>
      %parallel_loop3A_103 = arith.minsi %parallel_loop3A_100, %parallel_loop3A_102 : vector<16xi32>
      %parallel_loop3A_104 = arith.fptosi %parallel_loop3A_99 : vector<16xf32> to vector<16xi32>
      %parallel_loop3A_105 = arith.constant 199 : i32
      %parallel_loop3A_106 = vector.broadcast %parallel_loop3A_105 : i32 to vector<16xi32>
      %parallel_loop3A_107 = arith.minsi %parallel_loop3A_104, %parallel_loop3A_106 : vector<16xi32>
      %parallel_loop3A_108 = arith.constant 1 : i32
      %parallel_loop3A_109 = vector.broadcast %parallel_loop3A_108 : i32 to vector<16xi32>
      %parallel_loop3A_110 = arith.addi %parallel_loop3A_103, %parallel_loop3A_109 : vector<16xi32>
      %parallel_loop3A_111 = arith.constant 199 : i32
      %parallel_loop3A_112 = vector.broadcast %parallel_loop3A_111 : i32 to vector<16xi32>
      %parallel_loop3A_113 = arith.minsi %parallel_loop3A_110, %parallel_loop3A_112 : vector<16xi32>
      %parallel_loop3A_114 = arith.constant 1 : i32
      %parallel_loop3A_115 = vector.broadcast %parallel_loop3A_114 : i32 to vector<16xi32>
      %parallel_loop3A_116 = arith.addi %parallel_loop3A_107, %parallel_loop3A_115 : vector<16xi32>
      %parallel_loop3A_117 = arith.constant 199 : i32
      %parallel_loop3A_118 = vector.broadcast %parallel_loop3A_117 : i32 to vector<16xi32>
      %parallel_loop3A_119 = arith.minsi %parallel_loop3A_116, %parallel_loop3A_118 : vector<16xi32>
      %parallel_loop3A_120 = arith.sitofp %parallel_loop3A_103 : vector<16xi32> to vector<16xf32>
      %parallel_loop3A_121 = arith.subf %parallel_loop3A_92, %parallel_loop3A_120 : vector<16xf32>
      %parallel_loop3A_122 = arith.sitofp %parallel_loop3A_107 : vector<16xi32> to vector<16xf32>
      %parallel_loop3A_123 = arith.subf %parallel_loop3A_99, %parallel_loop3A_122 : vector<16xf32>
      %parallel_loop3A_124 = tpu.vector_load_idx %arg4[%parallel_loop3A_107, %parallel_loop3A_103] : memref<200x200xf32, #tpu.memory_space<vmem>>[vector<16xi32>, vector<16xi32>], vector<16xf32>,
      %parallel_loop3A_125 = tpu.vector_load_idx %arg4[%parallel_loop3A_107, %parallel_loop3A_113] : memref<200x200xf32, #tpu.memory_space<vmem>>[vector<16xi32>, vector<16xi32>], vector<16xf32>,
      %parallel_loop3A_126 = tpu.vector_load_idx %arg4[%parallel_loop3A_119, %parallel_loop3A_103] : memref<200x200xf32, #tpu.memory_space<vmem>>[vector<16xi32>, vector<16xi32>], vector<16xf32>,
      %parallel_loop3A_127 = tpu.vector_load_idx %arg4[%parallel_loop3A_119, %parallel_loop3A_113] : memref<200x200xf32, #tpu.memory_space<vmem>>[vector<16xi32>, vector<16xi32>], vector<16xf32>,
      %parallel_loop3A_128 = arith.constant 1.000000e+00 : f32
      %parallel_loop3A_129 = vector.broadcast %parallel_loop3A_128 : f32 to vector<16xf32>
      %parallel_loop3A_130 = arith.subf %parallel_loop3A_129, %parallel_loop3A_121 : vector<16xf32>
      %parallel_loop3A_131 = arith.mulf %parallel_loop3A_124, %parallel_loop3A_130 : vector<16xf32>
      %parallel_loop3A_132 = arith.constant 1.000000e+00 : f32
      %parallel_loop3A_133 = vector.broadcast %parallel_loop3A_132 : f32 to vector<16xf32>
      %parallel_loop3A_134 = arith.subf %parallel_loop3A_133, %parallel_loop3A_123 : vector<16xf32>
      %parallel_loop3A_135 = arith.mulf %parallel_loop3A_131, %parallel_loop3A_134 : vector<16xf32>
      %parallel_loop3A_136 = arith.mulf %parallel_loop3A_125, %parallel_loop3A_121 : vector<16xf32>
      %parallel_loop3A_137 = arith.constant 1.000000e+00 : f32
      %parallel_loop3A_138 = vector.broadcast %parallel_loop3A_137 : f32 to vector<16xf32>
      %parallel_loop3A_139 = arith.subf %parallel_loop3A_138, %parallel_loop3A_123 : vector<16xf32>
      %parallel_loop3A_140 = arith.mulf %parallel_loop3A_136, %parallel_loop3A_139 : vector<16xf32>
      %parallel_loop3A_141 = arith.addf %parallel_loop3A_135, %parallel_loop3A_140 : vector<16xf32>
      %parallel_loop3A_142 = arith.constant 1.000000e+00 : f32
      %parallel_loop3A_143 = vector.broadcast %parallel_loop3A_142 : f32 to vector<16xf32>
      %parallel_loop3A_144 = arith.subf %parallel_loop3A_143, %parallel_loop3A_121 : vector<16xf32>
      %parallel_loop3A_145 = arith.mulf %parallel_loop3A_126, %parallel_loop3A_144 : vector<16xf32>
      %parallel_loop3A_146 = arith.mulf %parallel_loop3A_145, %parallel_loop3A_123 : vector<16xf32>
      %parallel_loop3A_147 = arith.addf %parallel_loop3A_141, %parallel_loop3A_146 : vector<16xf32>
      %parallel_loop3A_148 = arith.mulf %parallel_loop3A_127, %parallel_loop3A_121 : vector<16xf32>
      %parallel_loop3A_149 = arith.mulf %parallel_loop3A_148, %parallel_loop3A_123 : vector<16xf32>
      %parallel_loop3A_150 = arith.addf %parallel_loop3A_147, %parallel_loop3A_149 : vector<16xf32>
      %parallel_loop3A_151 = arith.constant 16 : i32
      %parallel_loop3A_152 = arith.muli %parallel_loop3A_71, %parallel_loop3A_151 : i32
      %parallel_loop3A_153 = arith.index_cast %parallel_loop3A_152 : i32 to index
      %parallel_loop3A_154 = tpu.vector_load %arg6[%parallel_loop3A_153] {strides = array<i32>} : memref<2560xf32, #tpu.memory_space<vmem>>, vector<16xf32>,
      tpu.vector_store %arg6[%parallel_loop3A_153], %parallel_loop3A_150 {strides = array<i32>} : memref<2560xf32, #tpu.memory_space<vmem>>, vector<16xf32>,
    } {sc.loop_unroll_factor = 4 : i64, sc.parallel_access}
    %add3A_69 = arith.constant 2 : i32
    %add3A_70 = arith.addi %mul3A_2, %add3A_69 : i32
    "tpu.region"() ({
      %run_scoped3A = tpu.sem_alloc : memref<!tpu.dma_semaphore, #tpu.memory_space<semaphore_mem>>
      %dma_start3A_71 = arith.constant 0 : i32
      %dma_start3A_72 = tpu.memref_slice %arg3[%add3A_70, %dma_start3A_71] : memref<96x2560xf32, #tpu.memory_space<hbm>> -> memref<1x2560xf32, #tpu.memory_space<hbm>>
      %dma_start3A_73 = tpu.memref_squeeze %dma_start3A_72 : memref<1x2560xf32, #tpu.memory_space<hbm>> -> memref<2560xf32, #tpu.memory_space<hbm>>
      %dma_start3A_74 = arith.constant 0 : i32
      %dma_start3A_75 = tpu.memref_slice %arg3[%add3A_70, %dma_start3A_74] : memref<96x2560xf32, #tpu.memory_space<hbm>> -> memref<1x2560xf32, #tpu.memory_space<hbm>>
      %dma_start3A_76 = tpu.memref_squeeze %dma_start3A_75 : memref<1x2560xf32, #tpu.memory_space<hbm>> -> memref<2560xf32, #tpu.memory_space<hbm>>
      tpu.enqueue_dma source(%arg6 : memref<2560xf32, #tpu.memory_space<vmem>>) target(%dma_start3A_76 : memref<2560xf32, #tpu.memory_space<hbm>>) target_semaphore(%run_scoped3A : memref<!tpu.dma_semaphore, #tpu.memory_space<semaphore_mem>>)
      %dma_wait3A_77 = arith.constant 0 : i32
      %dma_wait3A_78 = tpu.memref_slice %arg3[%add3A_70, %dma_wait3A_77] : memref<96x2560xf32, #tpu.memory_space<hbm>> -> memref<1x2560xf32, #tpu.memory_space<hbm>>
      %dma_wait3A_79 = tpu.memref_squeeze %dma_wait3A_78 : memref<1x2560xf32, #tpu.memory_space<hbm>> -> memref<2560xf32, #tpu.memory_space<hbm>>
      %dma_wait3A_80 = arith.constant 0 : i32
      %dma_wait3A_81 = tpu.memref_slice %arg3[%add3A_70, %dma_wait3A_80] : memref<96x2560xf32, #tpu.memory_space<hbm>> -> memref<1x2560xf32, #tpu.memory_space<hbm>>
      %dma_wait3A_82 = tpu.memref_squeeze %dma_wait3A_81 : memref<1x2560xf32, #tpu.memory_space<hbm>> -> memref<2560xf32, #tpu.memory_space<hbm>>
      tpu.wait_dma2 semaphore(%run_scoped3A : memref<!tpu.dma_semaphore, #tpu.memory_space<semaphore_mem>>) src(%arg6 : memref<2560xf32, #tpu.memory_space<vmem>>) dst(%dma_wait3A_82 : memref<2560xf32, #tpu.memory_space<hbm>>)
      tpu.yield
    }) : () -> ()
    return
  }
}

module attributes {stable_mosaic.version = 14 : i64} {
  func.func @body(%arg0: i32, %arg1: memref<32x200x200xf32, #tpu.memory_space<vmem>>, %arg2: memref<50x200xf32, #tpu.memory_space<vmem>>, %arg3: memref<200x50xf32, #tpu.memory_space<vmem>>, %arg4: memref<32x50x50xf32, #tpu.memory_space<vmem>>) attributes {dimension_semantics = [#tpu.dimension_semantics<arbitrary>], iteration_bounds = array<i64: 3>, scalar_prefetch = 0 : i64, scratch_operands = 0 : i64, tpu.core_type = #tpu.core_type<tc>, window_params = [{transform_indices = @transform_0, window_bounds = array<i64: 32, 200, 200>}, {pipeline_mode = #tpu.pipeline_mode<synchronous>, transform_indices = @transform_1, window_bounds = array<i64: 50, 200>}, {pipeline_mode = #tpu.pipeline_mode<synchronous>, transform_indices = @transform_2, window_bounds = array<i64: 200, 50>}, {transform_indices = @transform_3, window_bounds = array<i64: 32, 50, 50>}]} {
    %get3A = arith.constant 0 : index
    %get3A_0 = arith.constant 0 : index
    %get3A_1 = arith.constant 0 : index
    %get3A_2 = vector.load %arg1[%get3A, %get3A_0, %get3A_1] : memref<32x200x200xf32, #tpu.memory_space<vmem>>, vector<32x200x200xf32>
    %reshape3A = vector.shape_cast %get3A_2 : vector<32x200x200xf32> to vector<6400x200xf32>
    %get3A_3 = arith.constant 0 : index
    %get3A_4 = arith.constant 0 : index
    %get3A_5 = vector.load %arg3[%get3A_3, %get3A_4] : memref<200x50xf32, #tpu.memory_space<vmem>>, vector<200x50xf32>
    %dot_general3A = arith.constant dense<0.000000e+00> : vector<6400x50xf32>
    %dot_general3A_6 = tpu.matmul %reshape3A, %get3A_5, %dot_general3A {dimension_numbers = #tpu.dot_dimension_numbers<[1], [0], [0], [1], [0, 0, 1, 1], [], []>, transpose_lhs_hint = false} : vector<6400x200xf32>, vector<200x50xf32>, vector<6400x50xf32> -> vector<6400x50xf32>
    %reshape3A_7 = vector.shape_cast %dot_general3A_6 : vector<6400x50xf32> to vector<32x200x50xf32>
    %get3A_8 = arith.constant 0 : index
    %get3A_9 = arith.constant 0 : index
    %get3A_10 = vector.load %arg2[%get3A_8, %get3A_9] : memref<50x200xf32, #tpu.memory_space<vmem>>, vector<50x200xf32>
    %slice3A = vector.extract_strided_slice %reshape3A_7 {offsets = [0, 0, 0], sizes = [1, 200, 50], strides = [1, 1, 1]} : vector<32x200x50xf32> to vector<1x200x50xf32>
    %squeeze3A = vector.shape_cast %slice3A : vector<1x200x50xf32> to vector<200x50xf32>
    %dot_general3A_11 = arith.constant dense<0.000000e+00> : vector<50x50xf32>
    %dot_general3A_12 = tpu.matmul %get3A_10, %squeeze3A, %dot_general3A_11 {dimension_numbers = #tpu.dot_dimension_numbers<[1], [0], [0], [1], [0, 0, 1, 1], [], []>, transpose_lhs_hint = false} : vector<50x200xf32>, vector<200x50xf32>, vector<50x50xf32> -> vector<50x50xf32>
    %swap3A = arith.constant 0 : index
    %swap3A_13 = arith.constant 0 : index
    %swap3A_14 = arith.constant 0 : index
    %swap3A_15 = vector.load %arg4[%swap3A, %swap3A_13, %swap3A_14] : memref<32x50x50xf32, #tpu.memory_space<vmem>>, vector<1x50x50xf32>
    %swap3A_16 = vector.shape_cast %swap3A_15 : vector<1x50x50xf32> to vector<50x50xf32>
    %swap3A_17 = vector.shape_cast %dot_general3A_12 : vector<50x50xf32> to vector<1x50x50xf32>
    tpu.vector_store %arg4[%swap3A, %swap3A_13, %swap3A_14], %swap3A_17 {strides = array<i32>} : memref<32x50x50xf32, #tpu.memory_space<vmem>>, vector<1x50x50xf32>,
    %get3A_18 = arith.constant 0 : index
    %get3A_19 = arith.constant 0 : index
    %get3A_20 = vector.load %arg2[%get3A_18, %get3A_19] : memref<50x200xf32, #tpu.memory_space<vmem>>, vector<50x200xf32>
    %slice3A_21 = vector.extract_strided_slice %reshape3A_7 {offsets = [1, 0, 0], sizes = [1, 200, 50], strides = [1, 1, 1]} : vector<32x200x50xf32> to vector<1x200x50xf32>
    %squeeze3A_22 = vector.shape_cast %slice3A_21 : vector<1x200x50xf32> to vector<200x50xf32>
    %dot_general3A_23 = arith.constant dense<0.000000e+00> : vector<50x50xf32>
    %dot_general3A_24 = tpu.matmul %get3A_20, %squeeze3A_22, %dot_general3A_23 {dimension_numbers = #tpu.dot_dimension_numbers<[1], [0], [0], [1], [0, 0, 1, 1], [], []>, transpose_lhs_hint = false} : vector<50x200xf32>, vector<200x50xf32>, vector<50x50xf32> -> vector<50x50xf32>
    %swap3A_25 = arith.constant 1 : index
    %swap3A_26 = arith.constant 0 : index
    %swap3A_27 = arith.constant 0 : index
    %swap3A_28 = vector.load %arg4[%swap3A_25, %swap3A_26, %swap3A_27] : memref<32x50x50xf32, #tpu.memory_space<vmem>>, vector<1x50x50xf32>
    %swap3A_29 = vector.shape_cast %swap3A_28 : vector<1x50x50xf32> to vector<50x50xf32>
    %swap3A_30 = vector.shape_cast %dot_general3A_24 : vector<50x50xf32> to vector<1x50x50xf32>
    tpu.vector_store %arg4[%swap3A_25, %swap3A_26, %swap3A_27], %swap3A_30 {strides = array<i32>} : memref<32x50x50xf32, #tpu.memory_space<vmem>>, vector<1x50x50xf32>,
    %get3A_31 = arith.constant 0 : index
    %get3A_32 = arith.constant 0 : index
    %get3A_33 = vector.load %arg2[%get3A_31, %get3A_32] : memref<50x200xf32, #tpu.memory_space<vmem>>, vector<50x200xf32>
    %slice3A_34 = vector.extract_strided_slice %reshape3A_7 {offsets = [2, 0, 0], sizes = [1, 200, 50], strides = [1, 1, 1]} : vector<32x200x50xf32> to vector<1x200x50xf32>
    %squeeze3A_35 = vector.shape_cast %slice3A_34 : vector<1x200x50xf32> to vector<200x50xf32>
    %dot_general3A_36 = arith.constant dense<0.000000e+00> : vector<50x50xf32>
    %dot_general3A_37 = tpu.matmul %get3A_33, %squeeze3A_35, %dot_general3A_36 {dimension_numbers = #tpu.dot_dimension_numbers<[1], [0], [0], [1], [0, 0, 1, 1], [], []>, transpose_lhs_hint = false} : vector<50x200xf32>, vector<200x50xf32>, vector<50x50xf32> -> vector<50x50xf32>
    %swap3A_38 = arith.constant 2 : index
    %swap3A_39 = arith.constant 0 : index
    %swap3A_40 = arith.constant 0 : index
    %swap3A_41 = vector.load %arg4[%swap3A_38, %swap3A_39, %swap3A_40] : memref<32x50x50xf32, #tpu.memory_space<vmem>>, vector<1x50x50xf32>
    %swap3A_42 = vector.shape_cast %swap3A_41 : vector<1x50x50xf32> to vector<50x50xf32>
    %swap3A_43 = vector.shape_cast %dot_general3A_37 : vector<50x50xf32> to vector<1x50x50xf32>
    tpu.vector_store %arg4[%swap3A_38, %swap3A_39, %swap3A_40], %swap3A_43 {strides = array<i32>} : memref<32x50x50xf32, #tpu.memory_space<vmem>>, vector<1x50x50xf32>,
    %get3A_44 = arith.constant 0 : index
    %get3A_45 = arith.constant 0 : index
    %get3A_46 = vector.load %arg2[%get3A_44, %get3A_45] : memref<50x200xf32, #tpu.memory_space<vmem>>, vector<50x200xf32>
    %slice3A_47 = vector.extract_strided_slice %reshape3A_7 {offsets = [3, 0, 0], sizes = [1, 200, 50], strides = [1, 1, 1]} : vector<32x200x50xf32> to vector<1x200x50xf32>
    %squeeze3A_48 = vector.shape_cast %slice3A_47 : vector<1x200x50xf32> to vector<200x50xf32>
    %dot_general3A_49 = arith.constant dense<0.000000e+00> : vector<50x50xf32>
    %dot_general3A_50 = tpu.matmul %get3A_46, %squeeze3A_48, %dot_general3A_49 {dimension_numbers = #tpu.dot_dimension_numbers<[1], [0], [0], [1], [0, 0, 1, 1], [], []>, transpose_lhs_hint = false} : vector<50x200xf32>, vector<200x50xf32>, vector<50x50xf32> -> vector<50x50xf32>
    %swap3A_51 = arith.constant 3 : index
    %swap3A_52 = arith.constant 0 : index
    %swap3A_53 = arith.constant 0 : index
    %swap3A_54 = vector.load %arg4[%swap3A_51, %swap3A_52, %swap3A_53] : memref<32x50x50xf32, #tpu.memory_space<vmem>>, vector<1x50x50xf32>
    %swap3A_55 = vector.shape_cast %swap3A_54 : vector<1x50x50xf32> to vector<50x50xf32>
    %swap3A_56 = vector.shape_cast %dot_general3A_50 : vector<50x50xf32> to vector<1x50x50xf32>
    tpu.vector_store %arg4[%swap3A_51, %swap3A_52, %swap3A_53], %swap3A_56 {strides = array<i32>} : memref<32x50x50xf32, #tpu.memory_space<vmem>>, vector<1x50x50xf32>,
    %get3A_57 = arith.constant 0 : index
    %get3A_58 = arith.constant 0 : index
    %get3A_59 = vector.load %arg2[%get3A_57, %get3A_58] : memref<50x200xf32, #tpu.memory_space<vmem>>, vector<50x200xf32>
    %slice3A_60 = vector.extract_strided_slice %reshape3A_7 {offsets = [4, 0, 0], sizes = [1, 200, 50], strides = [1, 1, 1]} : vector<32x200x50xf32> to vector<1x200x50xf32>
    %squeeze3A_61 = vector.shape_cast %slice3A_60 : vector<1x200x50xf32> to vector<200x50xf32>
    %dot_general3A_62 = arith.constant dense<0.000000e+00> : vector<50x50xf32>
    %dot_general3A_63 = tpu.matmul %get3A_59, %squeeze3A_61, %dot_general3A_62 {dimension_numbers = #tpu.dot_dimension_numbers<[1], [0], [0], [1], [0, 0, 1, 1], [], []>, transpose_lhs_hint = false} : vector<50x200xf32>, vector<200x50xf32>, vector<50x50xf32> -> vector<50x50xf32>
    %swap3A_64 = arith.constant 4 : index
    %swap3A_65 = arith.constant 0 : index
    %swap3A_66 = arith.constant 0 : index
    %swap3A_67 = vector.load %arg4[%swap3A_64, %swap3A_65, %swap3A_66] : memref<32x50x50xf32, #tpu.memory_space<vmem>>, vector<1x50x50xf32>
    %swap3A_68 = vector.shape_cast %swap3A_67 : vector<1x50x50xf32> to vector<50x50xf32>
    %swap3A_69 = vector.shape_cast %dot_general3A_63 : vector<50x50xf32> to vector<1x50x50xf32>
    tpu.vector_store %arg4[%swap3A_64, %swap3A_65, %swap3A_66], %swap3A_69 {strides = array<i32>} : memref<32x50x50xf32, #tpu.memory_space<vmem>>, vector<1x50x50xf32>,
    %get3A_70 = arith.constant 0 : index
    %get3A_71 = arith.constant 0 : index
    %get3A_72 = vector.load %arg2[%get3A_70, %get3A_71] : memref<50x200xf32, #tpu.memory_space<vmem>>, vector<50x200xf32>
    %slice3A_73 = vector.extract_strided_slice %reshape3A_7 {offsets = [5, 0, 0], sizes = [1, 200, 50], strides = [1, 1, 1]} : vector<32x200x50xf32> to vector<1x200x50xf32>
    %squeeze3A_74 = vector.shape_cast %slice3A_73 : vector<1x200x50xf32> to vector<200x50xf32>
    %dot_general3A_75 = arith.constant dense<0.000000e+00> : vector<50x50xf32>
    %dot_general3A_76 = tpu.matmul %get3A_72, %squeeze3A_74, %dot_general3A_75 {dimension_numbers = #tpu.dot_dimension_numbers<[1], [0], [0], [1], [0, 0, 1, 1], [], []>, transpose_lhs_hint = false} : vector<50x200xf32>, vector<200x50xf32>, vector<50x50xf32> -> vector<50x50xf32>
    %swap3A_77 = arith.constant 5 : index
    %swap3A_78 = arith.constant 0 : index
    %swap3A_79 = arith.constant 0 : index
    %swap3A_80 = vector.load %arg4[%swap3A_77, %swap3A_78, %swap3A_79] : memref<32x50x50xf32, #tpu.memory_space<vmem>>, vector<1x50x50xf32>
    %swap3A_81 = vector.shape_cast %swap3A_80 : vector<1x50x50xf32> to vector<50x50xf32>
    %swap3A_82 = vector.shape_cast %dot_general3A_76 : vector<50x50xf32> to vector<1x50x50xf32>
    tpu.vector_store %arg4[%swap3A_77, %swap3A_78, %swap3A_79], %swap3A_82 {strides = array<i32>} : memref<32x50x50xf32, #tpu.memory_space<vmem>>, vector<1x50x50xf32>,
    %get3A_83 = arith.constant 0 : index
    %get3A_84 = arith.constant 0 : index
    %get3A_85 = vector.load %arg2[%get3A_83, %get3A_84] : memref<50x200xf32, #tpu.memory_space<vmem>>, vector<50x200xf32>
    %slice3A_86 = vector.extract_strided_slice %reshape3A_7 {offsets = [6, 0, 0], sizes = [1, 200, 50], strides = [1, 1, 1]} : vector<32x200x50xf32> to vector<1x200x50xf32>
    %squeeze3A_87 = vector.shape_cast %slice3A_86 : vector<1x200x50xf32> to vector<200x50xf32>
    %dot_general3A_88 = arith.constant dense<0.000000e+00> : vector<50x50xf32>
    %dot_general3A_89 = tpu.matmul %get3A_85, %squeeze3A_87, %dot_general3A_88 {dimension_numbers = #tpu.dot_dimension_numbers<[1], [0], [0], [1], [0, 0, 1, 1], [], []>, transpose_lhs_hint = false} : vector<50x200xf32>, vector<200x50xf32>, vector<50x50xf32> -> vector<50x50xf32>
    %swap3A_90 = arith.constant 6 : index
    %swap3A_91 = arith.constant 0 : index
    %swap3A_92 = arith.constant 0 : index
    %swap3A_93 = vector.load %arg4[%swap3A_90, %swap3A_91, %swap3A_92] : memref<32x50x50xf32, #tpu.memory_space<vmem>>, vector<1x50x50xf32>
    %swap3A_94 = vector.shape_cast %swap3A_93 : vector<1x50x50xf32> to vector<50x50xf32>
    %swap3A_95 = vector.shape_cast %dot_general3A_89 : vector<50x50xf32> to vector<1x50x50xf32>
    tpu.vector_store %arg4[%swap3A_90, %swap3A_91, %swap3A_92], %swap3A_95 {strides = array<i32>} : memref<32x50x50xf32, #tpu.memory_space<vmem>>, vector<1x50x50xf32>,
    %get3A_96 = arith.constant 0 : index
    %get3A_97 = arith.constant 0 : index
    %get3A_98 = vector.load %arg2[%get3A_96, %get3A_97] : memref<50x200xf32, #tpu.memory_space<vmem>>, vector<50x200xf32>
    %slice3A_99 = vector.extract_strided_slice %reshape3A_7 {offsets = [7, 0, 0], sizes = [1, 200, 50], strides = [1, 1, 1]} : vector<32x200x50xf32> to vector<1x200x50xf32>
    %squeeze3A_100 = vector.shape_cast %slice3A_99 : vector<1x200x50xf32> to vector<200x50xf32>
    %dot_general3A_101 = arith.constant dense<0.000000e+00> : vector<50x50xf32>
    %dot_general3A_102 = tpu.matmul %get3A_98, %squeeze3A_100, %dot_general3A_101 {dimension_numbers = #tpu.dot_dimension_numbers<[1], [0], [0], [1], [0, 0, 1, 1], [], []>, transpose_lhs_hint = false} : vector<50x200xf32>, vector<200x50xf32>, vector<50x50xf32> -> vector<50x50xf32>
    %swap3A_103 = arith.constant 7 : index
    %swap3A_104 = arith.constant 0 : index
    %swap3A_105 = arith.constant 0 : index
    %swap3A_106 = vector.load %arg4[%swap3A_103, %swap3A_104, %swap3A_105] : memref<32x50x50xf32, #tpu.memory_space<vmem>>, vector<1x50x50xf32>
    %swap3A_107 = vector.shape_cast %swap3A_106 : vector<1x50x50xf32> to vector<50x50xf32>
    %swap3A_108 = vector.shape_cast %dot_general3A_102 : vector<50x50xf32> to vector<1x50x50xf32>
    tpu.vector_store %arg4[%swap3A_103, %swap3A_104, %swap3A_105], %swap3A_108 {strides = array<i32>} : memref<32x50x50xf32, #tpu.memory_space<vmem>>, vector<1x50x50xf32>,
    %get3A_109 = arith.constant 0 : index
    %get3A_110 = arith.constant 0 : index
    %get3A_111 = vector.load %arg2[%get3A_109, %get3A_110] : memref<50x200xf32, #tpu.memory_space<vmem>>, vector<50x200xf32>
    %slice3A_112 = vector.extract_strided_slice %reshape3A_7 {offsets = [8, 0, 0], sizes = [1, 200, 50], strides = [1, 1, 1]} : vector<32x200x50xf32> to vector<1x200x50xf32>
    %squeeze3A_113 = vector.shape_cast %slice3A_112 : vector<1x200x50xf32> to vector<200x50xf32>
    %dot_general3A_114 = arith.constant dense<0.000000e+00> : vector<50x50xf32>
    %dot_general3A_115 = tpu.matmul %get3A_111, %squeeze3A_113, %dot_general3A_114 {dimension_numbers = #tpu.dot_dimension_numbers<[1], [0], [0], [1], [0, 0, 1, 1], [], []>, transpose_lhs_hint = false} : vector<50x200xf32>, vector<200x50xf32>, vector<50x50xf32> -> vector<50x50xf32>
    %swap3A_116 = arith.constant 8 : index
    %swap3A_117 = arith.constant 0 : index
    %swap3A_118 = arith.constant 0 : index
    %swap3A_119 = vector.load %arg4[%swap3A_116, %swap3A_117, %swap3A_118] : memref<32x50x50xf32, #tpu.memory_space<vmem>>, vector<1x50x50xf32>
    %swap3A_120 = vector.shape_cast %swap3A_119 : vector<1x50x50xf32> to vector<50x50xf32>
    %swap3A_121 = vector.shape_cast %dot_general3A_115 : vector<50x50xf32> to vector<1x50x50xf32>
    tpu.vector_store %arg4[%swap3A_116, %swap3A_117, %swap3A_118], %swap3A_121 {strides = array<i32>} : memref<32x50x50xf32, #tpu.memory_space<vmem>>, vector<1x50x50xf32>,
    %get3A_122 = arith.constant 0 : index
    %get3A_123 = arith.constant 0 : index
    %get3A_124 = vector.load %arg2[%get3A_122, %get3A_123] : memref<50x200xf32, #tpu.memory_space<vmem>>, vector<50x200xf32>
    %slice3A_125 = vector.extract_strided_slice %reshape3A_7 {offsets = [9, 0, 0], sizes = [1, 200, 50], strides = [1, 1, 1]} : vector<32x200x50xf32> to vector<1x200x50xf32>
    %squeeze3A_126 = vector.shape_cast %slice3A_125 : vector<1x200x50xf32> to vector<200x50xf32>
    %dot_general3A_127 = arith.constant dense<0.000000e+00> : vector<50x50xf32>
    %dot_general3A_128 = tpu.matmul %get3A_124, %squeeze3A_126, %dot_general3A_127 {dimension_numbers = #tpu.dot_dimension_numbers<[1], [0], [0], [1], [0, 0, 1, 1], [], []>, transpose_lhs_hint = false} : vector<50x200xf32>, vector<200x50xf32>, vector<50x50xf32> -> vector<50x50xf32>
    %swap3A_129 = arith.constant 9 : index
    %swap3A_130 = arith.constant 0 : index
    %swap3A_131 = arith.constant 0 : index
    %swap3A_132 = vector.load %arg4[%swap3A_129, %swap3A_130, %swap3A_131] : memref<32x50x50xf32, #tpu.memory_space<vmem>>, vector<1x50x50xf32>
    %swap3A_133 = vector.shape_cast %swap3A_132 : vector<1x50x50xf32> to vector<50x50xf32>
    %swap3A_134 = vector.shape_cast %dot_general3A_128 : vector<50x50xf32> to vector<1x50x50xf32>
    tpu.vector_store %arg4[%swap3A_129, %swap3A_130, %swap3A_131], %swap3A_134 {strides = array<i32>} : memref<32x50x50xf32, #tpu.memory_space<vmem>>, vector<1x50x50xf32>,
    %get3A_135 = arith.constant 0 : index
    %get3A_136 = arith.constant 0 : index
    %get3A_137 = vector.load %arg2[%get3A_135, %get3A_136] : memref<50x200xf32, #tpu.memory_space<vmem>>, vector<50x200xf32>
    %slice3A_138 = vector.extract_strided_slice %reshape3A_7 {offsets = [10, 0, 0], sizes = [1, 200, 50], strides = [1, 1, 1]} : vector<32x200x50xf32> to vector<1x200x50xf32>
    %squeeze3A_139 = vector.shape_cast %slice3A_138 : vector<1x200x50xf32> to vector<200x50xf32>
    %dot_general3A_140 = arith.constant dense<0.000000e+00> : vector<50x50xf32>
    %dot_general3A_141 = tpu.matmul %get3A_137, %squeeze3A_139, %dot_general3A_140 {dimension_numbers = #tpu.dot_dimension_numbers<[1], [0], [0], [1], [0, 0, 1, 1], [], []>, transpose_lhs_hint = false} : vector<50x200xf32>, vector<200x50xf32>, vector<50x50xf32> -> vector<50x50xf32>
    %swap3A_142 = arith.constant 10 : index
    %swap3A_143 = arith.constant 0 : index
    %swap3A_144 = arith.constant 0 : index
    %swap3A_145 = vector.load %arg4[%swap3A_142, %swap3A_143, %swap3A_144] : memref<32x50x50xf32, #tpu.memory_space<vmem>>, vector<1x50x50xf32>
    %swap3A_146 = vector.shape_cast %swap3A_145 : vector<1x50x50xf32> to vector<50x50xf32>
    %swap3A_147 = vector.shape_cast %dot_general3A_141 : vector<50x50xf32> to vector<1x50x50xf32>
    tpu.vector_store %arg4[%swap3A_142, %swap3A_143, %swap3A_144], %swap3A_147 {strides = array<i32>} : memref<32x50x50xf32, #tpu.memory_space<vmem>>, vector<1x50x50xf32>,
    %get3A_148 = arith.constant 0 : index
    %get3A_149 = arith.constant 0 : index
    %get3A_150 = vector.load %arg2[%get3A_148, %get3A_149] : memref<50x200xf32, #tpu.memory_space<vmem>>, vector<50x200xf32>
    %slice3A_151 = vector.extract_strided_slice %reshape3A_7 {offsets = [11, 0, 0], sizes = [1, 200, 50], strides = [1, 1, 1]} : vector<32x200x50xf32> to vector<1x200x50xf32>
    %squeeze3A_152 = vector.shape_cast %slice3A_151 : vector<1x200x50xf32> to vector<200x50xf32>
    %dot_general3A_153 = arith.constant dense<0.000000e+00> : vector<50x50xf32>
    %dot_general3A_154 = tpu.matmul %get3A_150, %squeeze3A_152, %dot_general3A_153 {dimension_numbers = #tpu.dot_dimension_numbers<[1], [0], [0], [1], [0, 0, 1, 1], [], []>, transpose_lhs_hint = false} : vector<50x200xf32>, vector<200x50xf32>, vector<50x50xf32> -> vector<50x50xf32>
    %swap3A_155 = arith.constant 11 : index
    %swap3A_156 = arith.constant 0 : index
    %swap3A_157 = arith.constant 0 : index
    %swap3A_158 = vector.load %arg4[%swap3A_155, %swap3A_156, %swap3A_157] : memref<32x50x50xf32, #tpu.memory_space<vmem>>, vector<1x50x50xf32>
    %swap3A_159 = vector.shape_cast %swap3A_158 : vector<1x50x50xf32> to vector<50x50xf32>
    %swap3A_160 = vector.shape_cast %dot_general3A_154 : vector<50x50xf32> to vector<1x50x50xf32>
    tpu.vector_store %arg4[%swap3A_155, %swap3A_156, %swap3A_157], %swap3A_160 {strides = array<i32>} : memref<32x50x50xf32, #tpu.memory_space<vmem>>, vector<1x50x50xf32>,
    %get3A_161 = arith.constant 0 : index
    %get3A_162 = arith.constant 0 : index
    %get3A_163 = vector.load %arg2[%get3A_161, %get3A_162] : memref<50x200xf32, #tpu.memory_space<vmem>>, vector<50x200xf32>
    %slice3A_164 = vector.extract_strided_slice %reshape3A_7 {offsets = [12, 0, 0], sizes = [1, 200, 50], strides = [1, 1, 1]} : vector<32x200x50xf32> to vector<1x200x50xf32>
    %squeeze3A_165 = vector.shape_cast %slice3A_164 : vector<1x200x50xf32> to vector<200x50xf32>
    %dot_general3A_166 = arith.constant dense<0.000000e+00> : vector<50x50xf32>
    %dot_general3A_167 = tpu.matmul %get3A_163, %squeeze3A_165, %dot_general3A_166 {dimension_numbers = #tpu.dot_dimension_numbers<[1], [0], [0], [1], [0, 0, 1, 1], [], []>, transpose_lhs_hint = false} : vector<50x200xf32>, vector<200x50xf32>, vector<50x50xf32> -> vector<50x50xf32>
    %swap3A_168 = arith.constant 12 : index
    %swap3A_169 = arith.constant 0 : index
    %swap3A_170 = arith.constant 0 : index
    %swap3A_171 = vector.load %arg4[%swap3A_168, %swap3A_169, %swap3A_170] : memref<32x50x50xf32, #tpu.memory_space<vmem>>, vector<1x50x50xf32>
    %swap3A_172 = vector.shape_cast %swap3A_171 : vector<1x50x50xf32> to vector<50x50xf32>
    %swap3A_173 = vector.shape_cast %dot_general3A_167 : vector<50x50xf32> to vector<1x50x50xf32>
    tpu.vector_store %arg4[%swap3A_168, %swap3A_169, %swap3A_170], %swap3A_173 {strides = array<i32>} : memref<32x50x50xf32, #tpu.memory_space<vmem>>, vector<1x50x50xf32>,
    %get3A_174 = arith.constant 0 : index
    %get3A_175 = arith.constant 0 : index
    %get3A_176 = vector.load %arg2[%get3A_174, %get3A_175] : memref<50x200xf32, #tpu.memory_space<vmem>>, vector<50x200xf32>
    %slice3A_177 = vector.extract_strided_slice %reshape3A_7 {offsets = [13, 0, 0], sizes = [1, 200, 50], strides = [1, 1, 1]} : vector<32x200x50xf32> to vector<1x200x50xf32>
    %squeeze3A_178 = vector.shape_cast %slice3A_177 : vector<1x200x50xf32> to vector<200x50xf32>
    %dot_general3A_179 = arith.constant dense<0.000000e+00> : vector<50x50xf32>
    %dot_general3A_180 = tpu.matmul %get3A_176, %squeeze3A_178, %dot_general3A_179 {dimension_numbers = #tpu.dot_dimension_numbers<[1], [0], [0], [1], [0, 0, 1, 1], [], []>, transpose_lhs_hint = false} : vector<50x200xf32>, vector<200x50xf32>, vector<50x50xf32> -> vector<50x50xf32>
    %swap3A_181 = arith.constant 13 : index
    %swap3A_182 = arith.constant 0 : index
    %swap3A_183 = arith.constant 0 : index
    %swap3A_184 = vector.load %arg4[%swap3A_181, %swap3A_182, %swap3A_183] : memref<32x50x50xf32, #tpu.memory_space<vmem>>, vector<1x50x50xf32>
    %swap3A_185 = vector.shape_cast %swap3A_184 : vector<1x50x50xf32> to vector<50x50xf32>
    %swap3A_186 = vector.shape_cast %dot_general3A_180 : vector<50x50xf32> to vector<1x50x50xf32>
    tpu.vector_store %arg4[%swap3A_181, %swap3A_182, %swap3A_183], %swap3A_186 {strides = array<i32>} : memref<32x50x50xf32, #tpu.memory_space<vmem>>, vector<1x50x50xf32>,
    %get3A_187 = arith.constant 0 : index
    %get3A_188 = arith.constant 0 : index
    %get3A_189 = vector.load %arg2[%get3A_187, %get3A_188] : memref<50x200xf32, #tpu.memory_space<vmem>>, vector<50x200xf32>
    %slice3A_190 = vector.extract_strided_slice %reshape3A_7 {offsets = [14, 0, 0], sizes = [1, 200, 50], strides = [1, 1, 1]} : vector<32x200x50xf32> to vector<1x200x50xf32>
    %squeeze3A_191 = vector.shape_cast %slice3A_190 : vector<1x200x50xf32> to vector<200x50xf32>
    %dot_general3A_192 = arith.constant dense<0.000000e+00> : vector<50x50xf32>
    %dot_general3A_193 = tpu.matmul %get3A_189, %squeeze3A_191, %dot_general3A_192 {dimension_numbers = #tpu.dot_dimension_numbers<[1], [0], [0], [1], [0, 0, 1, 1], [], []>, transpose_lhs_hint = false} : vector<50x200xf32>, vector<200x50xf32>, vector<50x50xf32> -> vector<50x50xf32>
    %swap3A_194 = arith.constant 14 : index
    %swap3A_195 = arith.constant 0 : index
    %swap3A_196 = arith.constant 0 : index
    %swap3A_197 = vector.load %arg4[%swap3A_194, %swap3A_195, %swap3A_196] : memref<32x50x50xf32, #tpu.memory_space<vmem>>, vector<1x50x50xf32>
    %swap3A_198 = vector.shape_cast %swap3A_197 : vector<1x50x50xf32> to vector<50x50xf32>
    %swap3A_199 = vector.shape_cast %dot_general3A_193 : vector<50x50xf32> to vector<1x50x50xf32>
    tpu.vector_store %arg4[%swap3A_194, %swap3A_195, %swap3A_196], %swap3A_199 {strides = array<i32>} : memref<32x50x50xf32, #tpu.memory_space<vmem>>, vector<1x50x50xf32>,
    %get3A_200 = arith.constant 0 : index
    %get3A_201 = arith.constant 0 : index
    %get3A_202 = vector.load %arg2[%get3A_200, %get3A_201] : memref<50x200xf32, #tpu.memory_space<vmem>>, vector<50x200xf32>
    %slice3A_203 = vector.extract_strided_slice %reshape3A_7 {offsets = [15, 0, 0], sizes = [1, 200, 50], strides = [1, 1, 1]} : vector<32x200x50xf32> to vector<1x200x50xf32>
    %squeeze3A_204 = vector.shape_cast %slice3A_203 : vector<1x200x50xf32> to vector<200x50xf32>
    %dot_general3A_205 = arith.constant dense<0.000000e+00> : vector<50x50xf32>
    %dot_general3A_206 = tpu.matmul %get3A_202, %squeeze3A_204, %dot_general3A_205 {dimension_numbers = #tpu.dot_dimension_numbers<[1], [0], [0], [1], [0, 0, 1, 1], [], []>, transpose_lhs_hint = false} : vector<50x200xf32>, vector<200x50xf32>, vector<50x50xf32> -> vector<50x50xf32>
    %swap3A_207 = arith.constant 15 : index
    %swap3A_208 = arith.constant 0 : index
    %swap3A_209 = arith.constant 0 : index
    %swap3A_210 = vector.load %arg4[%swap3A_207, %swap3A_208, %swap3A_209] : memref<32x50x50xf32, #tpu.memory_space<vmem>>, vector<1x50x50xf32>
    %swap3A_211 = vector.shape_cast %swap3A_210 : vector<1x50x50xf32> to vector<50x50xf32>
    %swap3A_212 = vector.shape_cast %dot_general3A_206 : vector<50x50xf32> to vector<1x50x50xf32>
    tpu.vector_store %arg4[%swap3A_207, %swap3A_208, %swap3A_209], %swap3A_212 {strides = array<i32>} : memref<32x50x50xf32, #tpu.memory_space<vmem>>, vector<1x50x50xf32>,
    %get3A_213 = arith.constant 0 : index
    %get3A_214 = arith.constant 0 : index
    %get3A_215 = vector.load %arg2[%get3A_213, %get3A_214] : memref<50x200xf32, #tpu.memory_space<vmem>>, vector<50x200xf32>
    %slice3A_216 = vector.extract_strided_slice %reshape3A_7 {offsets = [16, 0, 0], sizes = [1, 200, 50], strides = [1, 1, 1]} : vector<32x200x50xf32> to vector<1x200x50xf32>
    %squeeze3A_217 = vector.shape_cast %slice3A_216 : vector<1x200x50xf32> to vector<200x50xf32>
    %dot_general3A_218 = arith.constant dense<0.000000e+00> : vector<50x50xf32>
    %dot_general3A_219 = tpu.matmul %get3A_215, %squeeze3A_217, %dot_general3A_218 {dimension_numbers = #tpu.dot_dimension_numbers<[1], [0], [0], [1], [0, 0, 1, 1], [], []>, transpose_lhs_hint = false} : vector<50x200xf32>, vector<200x50xf32>, vector<50x50xf32> -> vector<50x50xf32>
    %swap3A_220 = arith.constant 16 : index
    %swap3A_221 = arith.constant 0 : index
    %swap3A_222 = arith.constant 0 : index
    %swap3A_223 = vector.load %arg4[%swap3A_220, %swap3A_221, %swap3A_222] : memref<32x50x50xf32, #tpu.memory_space<vmem>>, vector<1x50x50xf32>
    %swap3A_224 = vector.shape_cast %swap3A_223 : vector<1x50x50xf32> to vector<50x50xf32>
    %swap3A_225 = vector.shape_cast %dot_general3A_219 : vector<50x50xf32> to vector<1x50x50xf32>
    tpu.vector_store %arg4[%swap3A_220, %swap3A_221, %swap3A_222], %swap3A_225 {strides = array<i32>} : memref<32x50x50xf32, #tpu.memory_space<vmem>>, vector<1x50x50xf32>,
    %get3A_226 = arith.constant 0 : index
    %get3A_227 = arith.constant 0 : index
    %get3A_228 = vector.load %arg2[%get3A_226, %get3A_227] : memref<50x200xf32, #tpu.memory_space<vmem>>, vector<50x200xf32>
    %slice3A_229 = vector.extract_strided_slice %reshape3A_7 {offsets = [17, 0, 0], sizes = [1, 200, 50], strides = [1, 1, 1]} : vector<32x200x50xf32> to vector<1x200x50xf32>
    %squeeze3A_230 = vector.shape_cast %slice3A_229 : vector<1x200x50xf32> to vector<200x50xf32>
    %dot_general3A_231 = arith.constant dense<0.000000e+00> : vector<50x50xf32>
    %dot_general3A_232 = tpu.matmul %get3A_228, %squeeze3A_230, %dot_general3A_231 {dimension_numbers = #tpu.dot_dimension_numbers<[1], [0], [0], [1], [0, 0, 1, 1], [], []>, transpose_lhs_hint = false} : vector<50x200xf32>, vector<200x50xf32>, vector<50x50xf32> -> vector<50x50xf32>
    %swap3A_233 = arith.constant 17 : index
    %swap3A_234 = arith.constant 0 : index
    %swap3A_235 = arith.constant 0 : index
    %swap3A_236 = vector.load %arg4[%swap3A_233, %swap3A_234, %swap3A_235] : memref<32x50x50xf32, #tpu.memory_space<vmem>>, vector<1x50x50xf32>
    %swap3A_237 = vector.shape_cast %swap3A_236 : vector<1x50x50xf32> to vector<50x50xf32>
    %swap3A_238 = vector.shape_cast %dot_general3A_232 : vector<50x50xf32> to vector<1x50x50xf32>
    tpu.vector_store %arg4[%swap3A_233, %swap3A_234, %swap3A_235], %swap3A_238 {strides = array<i32>} : memref<32x50x50xf32, #tpu.memory_space<vmem>>, vector<1x50x50xf32>,
    %get3A_239 = arith.constant 0 : index
    %get3A_240 = arith.constant 0 : index
    %get3A_241 = vector.load %arg2[%get3A_239, %get3A_240] : memref<50x200xf32, #tpu.memory_space<vmem>>, vector<50x200xf32>
    %slice3A_242 = vector.extract_strided_slice %reshape3A_7 {offsets = [18, 0, 0], sizes = [1, 200, 50], strides = [1, 1, 1]} : vector<32x200x50xf32> to vector<1x200x50xf32>
    %squeeze3A_243 = vector.shape_cast %slice3A_242 : vector<1x200x50xf32> to vector<200x50xf32>
    %dot_general3A_244 = arith.constant dense<0.000000e+00> : vector<50x50xf32>
    %dot_general3A_245 = tpu.matmul %get3A_241, %squeeze3A_243, %dot_general3A_244 {dimension_numbers = #tpu.dot_dimension_numbers<[1], [0], [0], [1], [0, 0, 1, 1], [], []>, transpose_lhs_hint = false} : vector<50x200xf32>, vector<200x50xf32>, vector<50x50xf32> -> vector<50x50xf32>
    %swap3A_246 = arith.constant 18 : index
    %swap3A_247 = arith.constant 0 : index
    %swap3A_248 = arith.constant 0 : index
    %swap3A_249 = vector.load %arg4[%swap3A_246, %swap3A_247, %swap3A_248] : memref<32x50x50xf32, #tpu.memory_space<vmem>>, vector<1x50x50xf32>
    %swap3A_250 = vector.shape_cast %swap3A_249 : vector<1x50x50xf32> to vector<50x50xf32>
    %swap3A_251 = vector.shape_cast %dot_general3A_245 : vector<50x50xf32> to vector<1x50x50xf32>
    tpu.vector_store %arg4[%swap3A_246, %swap3A_247, %swap3A_248], %swap3A_251 {strides = array<i32>} : memref<32x50x50xf32, #tpu.memory_space<vmem>>, vector<1x50x50xf32>,
    %get3A_252 = arith.constant 0 : index
    %get3A_253 = arith.constant 0 : index
    %get3A_254 = vector.load %arg2[%get3A_252, %get3A_253] : memref<50x200xf32, #tpu.memory_space<vmem>>, vector<50x200xf32>
    %slice3A_255 = vector.extract_strided_slice %reshape3A_7 {offsets = [19, 0, 0], sizes = [1, 200, 50], strides = [1, 1, 1]} : vector<32x200x50xf32> to vector<1x200x50xf32>
    %squeeze3A_256 = vector.shape_cast %slice3A_255 : vector<1x200x50xf32> to vector<200x50xf32>
    %dot_general3A_257 = arith.constant dense<0.000000e+00> : vector<50x50xf32>
    %dot_general3A_258 = tpu.matmul %get3A_254, %squeeze3A_256, %dot_general3A_257 {dimension_numbers = #tpu.dot_dimension_numbers<[1], [0], [0], [1], [0, 0, 1, 1], [], []>, transpose_lhs_hint = false} : vector<50x200xf32>, vector<200x50xf32>, vector<50x50xf32> -> vector<50x50xf32>
    %swap3A_259 = arith.constant 19 : index
    %swap3A_260 = arith.constant 0 : index
    %swap3A_261 = arith.constant 0 : index
    %swap3A_262 = vector.load %arg4[%swap3A_259, %swap3A_260, %swap3A_261] : memref<32x50x50xf32, #tpu.memory_space<vmem>>, vector<1x50x50xf32>
    %swap3A_263 = vector.shape_cast %swap3A_262 : vector<1x50x50xf32> to vector<50x50xf32>
    %swap3A_264 = vector.shape_cast %dot_general3A_258 : vector<50x50xf32> to vector<1x50x50xf32>
    tpu.vector_store %arg4[%swap3A_259, %swap3A_260, %swap3A_261], %swap3A_264 {strides = array<i32>} : memref<32x50x50xf32, #tpu.memory_space<vmem>>, vector<1x50x50xf32>,
    %get3A_265 = arith.constant 0 : index
    %get3A_266 = arith.constant 0 : index
    %get3A_267 = vector.load %arg2[%get3A_265, %get3A_266] : memref<50x200xf32, #tpu.memory_space<vmem>>, vector<50x200xf32>
    %slice3A_268 = vector.extract_strided_slice %reshape3A_7 {offsets = [20, 0, 0], sizes = [1, 200, 50], strides = [1, 1, 1]} : vector<32x200x50xf32> to vector<1x200x50xf32>
    %squeeze3A_269 = vector.shape_cast %slice3A_268 : vector<1x200x50xf32> to vector<200x50xf32>
    %dot_general3A_270 = arith.constant dense<0.000000e+00> : vector<50x50xf32>
    %dot_general3A_271 = tpu.matmul %get3A_267, %squeeze3A_269, %dot_general3A_270 {dimension_numbers = #tpu.dot_dimension_numbers<[1], [0], [0], [1], [0, 0, 1, 1], [], []>, transpose_lhs_hint = false} : vector<50x200xf32>, vector<200x50xf32>, vector<50x50xf32> -> vector<50x50xf32>
    %swap3A_272 = arith.constant 20 : index
    %swap3A_273 = arith.constant 0 : index
    %swap3A_274 = arith.constant 0 : index
    %swap3A_275 = vector.load %arg4[%swap3A_272, %swap3A_273, %swap3A_274] : memref<32x50x50xf32, #tpu.memory_space<vmem>>, vector<1x50x50xf32>
    %swap3A_276 = vector.shape_cast %swap3A_275 : vector<1x50x50xf32> to vector<50x50xf32>
    %swap3A_277 = vector.shape_cast %dot_general3A_271 : vector<50x50xf32> to vector<1x50x50xf32>
    tpu.vector_store %arg4[%swap3A_272, %swap3A_273, %swap3A_274], %swap3A_277 {strides = array<i32>} : memref<32x50x50xf32, #tpu.memory_space<vmem>>, vector<1x50x50xf32>,
    %get3A_278 = arith.constant 0 : index
    %get3A_279 = arith.constant 0 : index
    %get3A_280 = vector.load %arg2[%get3A_278, %get3A_279] : memref<50x200xf32, #tpu.memory_space<vmem>>, vector<50x200xf32>
    %slice3A_281 = vector.extract_strided_slice %reshape3A_7 {offsets = [21, 0, 0], sizes = [1, 200, 50], strides = [1, 1, 1]} : vector<32x200x50xf32> to vector<1x200x50xf32>
    %squeeze3A_282 = vector.shape_cast %slice3A_281 : vector<1x200x50xf32> to vector<200x50xf32>
    %dot_general3A_283 = arith.constant dense<0.000000e+00> : vector<50x50xf32>
    %dot_general3A_284 = tpu.matmul %get3A_280, %squeeze3A_282, %dot_general3A_283 {dimension_numbers = #tpu.dot_dimension_numbers<[1], [0], [0], [1], [0, 0, 1, 1], [], []>, transpose_lhs_hint = false} : vector<50x200xf32>, vector<200x50xf32>, vector<50x50xf32> -> vector<50x50xf32>
    %swap3A_285 = arith.constant 21 : index
    %swap3A_286 = arith.constant 0 : index
    %swap3A_287 = arith.constant 0 : index
    %swap3A_288 = vector.load %arg4[%swap3A_285, %swap3A_286, %swap3A_287] : memref<32x50x50xf32, #tpu.memory_space<vmem>>, vector<1x50x50xf32>
    %swap3A_289 = vector.shape_cast %swap3A_288 : vector<1x50x50xf32> to vector<50x50xf32>
    %swap3A_290 = vector.shape_cast %dot_general3A_284 : vector<50x50xf32> to vector<1x50x50xf32>
    tpu.vector_store %arg4[%swap3A_285, %swap3A_286, %swap3A_287], %swap3A_290 {strides = array<i32>} : memref<32x50x50xf32, #tpu.memory_space<vmem>>, vector<1x50x50xf32>,
    %get3A_291 = arith.constant 0 : index
    %get3A_292 = arith.constant 0 : index
    %get3A_293 = vector.load %arg2[%get3A_291, %get3A_292] : memref<50x200xf32, #tpu.memory_space<vmem>>, vector<50x200xf32>
    %slice3A_294 = vector.extract_strided_slice %reshape3A_7 {offsets = [22, 0, 0], sizes = [1, 200, 50], strides = [1, 1, 1]} : vector<32x200x50xf32> to vector<1x200x50xf32>
    %squeeze3A_295 = vector.shape_cast %slice3A_294 : vector<1x200x50xf32> to vector<200x50xf32>
    %dot_general3A_296 = arith.constant dense<0.000000e+00> : vector<50x50xf32>
    %dot_general3A_297 = tpu.matmul %get3A_293, %squeeze3A_295, %dot_general3A_296 {dimension_numbers = #tpu.dot_dimension_numbers<[1], [0], [0], [1], [0, 0, 1, 1], [], []>, transpose_lhs_hint = false} : vector<50x200xf32>, vector<200x50xf32>, vector<50x50xf32> -> vector<50x50xf32>
    %swap3A_298 = arith.constant 22 : index
    %swap3A_299 = arith.constant 0 : index
    %swap3A_300 = arith.constant 0 : index
    %swap3A_301 = vector.load %arg4[%swap3A_298, %swap3A_299, %swap3A_300] : memref<32x50x50xf32, #tpu.memory_space<vmem>>, vector<1x50x50xf32>
    %swap3A_302 = vector.shape_cast %swap3A_301 : vector<1x50x50xf32> to vector<50x50xf32>
    %swap3A_303 = vector.shape_cast %dot_general3A_297 : vector<50x50xf32> to vector<1x50x50xf32>
    tpu.vector_store %arg4[%swap3A_298, %swap3A_299, %swap3A_300], %swap3A_303 {strides = array<i32>} : memref<32x50x50xf32, #tpu.memory_space<vmem>>, vector<1x50x50xf32>,
    %get3A_304 = arith.constant 0 : index
    %get3A_305 = arith.constant 0 : index
    %get3A_306 = vector.load %arg2[%get3A_304, %get3A_305] : memref<50x200xf32, #tpu.memory_space<vmem>>, vector<50x200xf32>
    %slice3A_307 = vector.extract_strided_slice %reshape3A_7 {offsets = [23, 0, 0], sizes = [1, 200, 50], strides = [1, 1, 1]} : vector<32x200x50xf32> to vector<1x200x50xf32>
    %squeeze3A_308 = vector.shape_cast %slice3A_307 : vector<1x200x50xf32> to vector<200x50xf32>
    %dot_general3A_309 = arith.constant dense<0.000000e+00> : vector<50x50xf32>
    %dot_general3A_310 = tpu.matmul %get3A_306, %squeeze3A_308, %dot_general3A_309 {dimension_numbers = #tpu.dot_dimension_numbers<[1], [0], [0], [1], [0, 0, 1, 1], [], []>, transpose_lhs_hint = false} : vector<50x200xf32>, vector<200x50xf32>, vector<50x50xf32> -> vector<50x50xf32>
    %swap3A_311 = arith.constant 23 : index
    %swap3A_312 = arith.constant 0 : index
    %swap3A_313 = arith.constant 0 : index
    %swap3A_314 = vector.load %arg4[%swap3A_311, %swap3A_312, %swap3A_313] : memref<32x50x50xf32, #tpu.memory_space<vmem>>, vector<1x50x50xf32>
    %swap3A_315 = vector.shape_cast %swap3A_314 : vector<1x50x50xf32> to vector<50x50xf32>
    %swap3A_316 = vector.shape_cast %dot_general3A_310 : vector<50x50xf32> to vector<1x50x50xf32>
    tpu.vector_store %arg4[%swap3A_311, %swap3A_312, %swap3A_313], %swap3A_316 {strides = array<i32>} : memref<32x50x50xf32, #tpu.memory_space<vmem>>, vector<1x50x50xf32>,
    %get3A_317 = arith.constant 0 : index
    %get3A_318 = arith.constant 0 : index
    %get3A_319 = vector.load %arg2[%get3A_317, %get3A_318] : memref<50x200xf32, #tpu.memory_space<vmem>>, vector<50x200xf32>
    %slice3A_320 = vector.extract_strided_slice %reshape3A_7 {offsets = [24, 0, 0], sizes = [1, 200, 50], strides = [1, 1, 1]} : vector<32x200x50xf32> to vector<1x200x50xf32>
    %squeeze3A_321 = vector.shape_cast %slice3A_320 : vector<1x200x50xf32> to vector<200x50xf32>
    %dot_general3A_322 = arith.constant dense<0.000000e+00> : vector<50x50xf32>
    %dot_general3A_323 = tpu.matmul %get3A_319, %squeeze3A_321, %dot_general3A_322 {dimension_numbers = #tpu.dot_dimension_numbers<[1], [0], [0], [1], [0, 0, 1, 1], [], []>, transpose_lhs_hint = false} : vector<50x200xf32>, vector<200x50xf32>, vector<50x50xf32> -> vector<50x50xf32>
    %swap3A_324 = arith.constant 24 : index
    %swap3A_325 = arith.constant 0 : index
    %swap3A_326 = arith.constant 0 : index
    %swap3A_327 = vector.load %arg4[%swap3A_324, %swap3A_325, %swap3A_326] : memref<32x50x50xf32, #tpu.memory_space<vmem>>, vector<1x50x50xf32>
    %swap3A_328 = vector.shape_cast %swap3A_327 : vector<1x50x50xf32> to vector<50x50xf32>
    %swap3A_329 = vector.shape_cast %dot_general3A_323 : vector<50x50xf32> to vector<1x50x50xf32>
    tpu.vector_store %arg4[%swap3A_324, %swap3A_325, %swap3A_326], %swap3A_329 {strides = array<i32>} : memref<32x50x50xf32, #tpu.memory_space<vmem>>, vector<1x50x50xf32>,
    %get3A_330 = arith.constant 0 : index
    %get3A_331 = arith.constant 0 : index
    %get3A_332 = vector.load %arg2[%get3A_330, %get3A_331] : memref<50x200xf32, #tpu.memory_space<vmem>>, vector<50x200xf32>
    %slice3A_333 = vector.extract_strided_slice %reshape3A_7 {offsets = [25, 0, 0], sizes = [1, 200, 50], strides = [1, 1, 1]} : vector<32x200x50xf32> to vector<1x200x50xf32>
    %squeeze3A_334 = vector.shape_cast %slice3A_333 : vector<1x200x50xf32> to vector<200x50xf32>
    %dot_general3A_335 = arith.constant dense<0.000000e+00> : vector<50x50xf32>
    %dot_general3A_336 = tpu.matmul %get3A_332, %squeeze3A_334, %dot_general3A_335 {dimension_numbers = #tpu.dot_dimension_numbers<[1], [0], [0], [1], [0, 0, 1, 1], [], []>, transpose_lhs_hint = false} : vector<50x200xf32>, vector<200x50xf32>, vector<50x50xf32> -> vector<50x50xf32>
    %swap3A_337 = arith.constant 25 : index
    %swap3A_338 = arith.constant 0 : index
    %swap3A_339 = arith.constant 0 : index
    %swap3A_340 = vector.load %arg4[%swap3A_337, %swap3A_338, %swap3A_339] : memref<32x50x50xf32, #tpu.memory_space<vmem>>, vector<1x50x50xf32>
    %swap3A_341 = vector.shape_cast %swap3A_340 : vector<1x50x50xf32> to vector<50x50xf32>
    %swap3A_342 = vector.shape_cast %dot_general3A_336 : vector<50x50xf32> to vector<1x50x50xf32>
    tpu.vector_store %arg4[%swap3A_337, %swap3A_338, %swap3A_339], %swap3A_342 {strides = array<i32>} : memref<32x50x50xf32, #tpu.memory_space<vmem>>, vector<1x50x50xf32>,
    %get3A_343 = arith.constant 0 : index
    %get3A_344 = arith.constant 0 : index
    %get3A_345 = vector.load %arg2[%get3A_343, %get3A_344] : memref<50x200xf32, #tpu.memory_space<vmem>>, vector<50x200xf32>
    %slice3A_346 = vector.extract_strided_slice %reshape3A_7 {offsets = [26, 0, 0], sizes = [1, 200, 50], strides = [1, 1, 1]} : vector<32x200x50xf32> to vector<1x200x50xf32>
    %squeeze3A_347 = vector.shape_cast %slice3A_346 : vector<1x200x50xf32> to vector<200x50xf32>
    %dot_general3A_348 = arith.constant dense<0.000000e+00> : vector<50x50xf32>
    %dot_general3A_349 = tpu.matmul %get3A_345, %squeeze3A_347, %dot_general3A_348 {dimension_numbers = #tpu.dot_dimension_numbers<[1], [0], [0], [1], [0, 0, 1, 1], [], []>, transpose_lhs_hint = false} : vector<50x200xf32>, vector<200x50xf32>, vector<50x50xf32> -> vector<50x50xf32>
    %swap3A_350 = arith.constant 26 : index
    %swap3A_351 = arith.constant 0 : index
    %swap3A_352 = arith.constant 0 : index
    %swap3A_353 = vector.load %arg4[%swap3A_350, %swap3A_351, %swap3A_352] : memref<32x50x50xf32, #tpu.memory_space<vmem>>, vector<1x50x50xf32>
    %swap3A_354 = vector.shape_cast %swap3A_353 : vector<1x50x50xf32> to vector<50x50xf32>
    %swap3A_355 = vector.shape_cast %dot_general3A_349 : vector<50x50xf32> to vector<1x50x50xf32>
    tpu.vector_store %arg4[%swap3A_350, %swap3A_351, %swap3A_352], %swap3A_355 {strides = array<i32>} : memref<32x50x50xf32, #tpu.memory_space<vmem>>, vector<1x50x50xf32>,
    %get3A_356 = arith.constant 0 : index
    %get3A_357 = arith.constant 0 : index
    %get3A_358 = vector.load %arg2[%get3A_356, %get3A_357] : memref<50x200xf32, #tpu.memory_space<vmem>>, vector<50x200xf32>
    %slice3A_359 = vector.extract_strided_slice %reshape3A_7 {offsets = [27, 0, 0], sizes = [1, 200, 50], strides = [1, 1, 1]} : vector<32x200x50xf32> to vector<1x200x50xf32>
    %squeeze3A_360 = vector.shape_cast %slice3A_359 : vector<1x200x50xf32> to vector<200x50xf32>
    %dot_general3A_361 = arith.constant dense<0.000000e+00> : vector<50x50xf32>
    %dot_general3A_362 = tpu.matmul %get3A_358, %squeeze3A_360, %dot_general3A_361 {dimension_numbers = #tpu.dot_dimension_numbers<[1], [0], [0], [1], [0, 0, 1, 1], [], []>, transpose_lhs_hint = false} : vector<50x200xf32>, vector<200x50xf32>, vector<50x50xf32> -> vector<50x50xf32>
    %swap3A_363 = arith.constant 27 : index
    %swap3A_364 = arith.constant 0 : index
    %swap3A_365 = arith.constant 0 : index
    %swap3A_366 = vector.load %arg4[%swap3A_363, %swap3A_364, %swap3A_365] : memref<32x50x50xf32, #tpu.memory_space<vmem>>, vector<1x50x50xf32>
    %swap3A_367 = vector.shape_cast %swap3A_366 : vector<1x50x50xf32> to vector<50x50xf32>
    %swap3A_368 = vector.shape_cast %dot_general3A_362 : vector<50x50xf32> to vector<1x50x50xf32>
    tpu.vector_store %arg4[%swap3A_363, %swap3A_364, %swap3A_365], %swap3A_368 {strides = array<i32>} : memref<32x50x50xf32, #tpu.memory_space<vmem>>, vector<1x50x50xf32>,
    %get3A_369 = arith.constant 0 : index
    %get3A_370 = arith.constant 0 : index
    %get3A_371 = vector.load %arg2[%get3A_369, %get3A_370] : memref<50x200xf32, #tpu.memory_space<vmem>>, vector<50x200xf32>
    %slice3A_372 = vector.extract_strided_slice %reshape3A_7 {offsets = [28, 0, 0], sizes = [1, 200, 50], strides = [1, 1, 1]} : vector<32x200x50xf32> to vector<1x200x50xf32>
    %squeeze3A_373 = vector.shape_cast %slice3A_372 : vector<1x200x50xf32> to vector<200x50xf32>
    %dot_general3A_374 = arith.constant dense<0.000000e+00> : vector<50x50xf32>
    %dot_general3A_375 = tpu.matmul %get3A_371, %squeeze3A_373, %dot_general3A_374 {dimension_numbers = #tpu.dot_dimension_numbers<[1], [0], [0], [1], [0, 0, 1, 1], [], []>, transpose_lhs_hint = false} : vector<50x200xf32>, vector<200x50xf32>, vector<50x50xf32> -> vector<50x50xf32>
    %swap3A_376 = arith.constant 28 : index
    %swap3A_377 = arith.constant 0 : index
    %swap3A_378 = arith.constant 0 : index
    %swap3A_379 = vector.load %arg4[%swap3A_376, %swap3A_377, %swap3A_378] : memref<32x50x50xf32, #tpu.memory_space<vmem>>, vector<1x50x50xf32>
    %swap3A_380 = vector.shape_cast %swap3A_379 : vector<1x50x50xf32> to vector<50x50xf32>
    %swap3A_381 = vector.shape_cast %dot_general3A_375 : vector<50x50xf32> to vector<1x50x50xf32>
    tpu.vector_store %arg4[%swap3A_376, %swap3A_377, %swap3A_378], %swap3A_381 {strides = array<i32>} : memref<32x50x50xf32, #tpu.memory_space<vmem>>, vector<1x50x50xf32>,
    %get3A_382 = arith.constant 0 : index
    %get3A_383 = arith.constant 0 : index
    %get3A_384 = vector.load %arg2[%get3A_382, %get3A_383] : memref<50x200xf32, #tpu.memory_space<vmem>>, vector<50x200xf32>
    %slice3A_385 = vector.extract_strided_slice %reshape3A_7 {offsets = [29, 0, 0], sizes = [1, 200, 50], strides = [1, 1, 1]} : vector<32x200x50xf32> to vector<1x200x50xf32>
    %squeeze3A_386 = vector.shape_cast %slice3A_385 : vector<1x200x50xf32> to vector<200x50xf32>
    %dot_general3A_387 = arith.constant dense<0.000000e+00> : vector<50x50xf32>
    %dot_general3A_388 = tpu.matmul %get3A_384, %squeeze3A_386, %dot_general3A_387 {dimension_numbers = #tpu.dot_dimension_numbers<[1], [0], [0], [1], [0, 0, 1, 1], [], []>, transpose_lhs_hint = false} : vector<50x200xf32>, vector<200x50xf32>, vector<50x50xf32> -> vector<50x50xf32>
    %swap3A_389 = arith.constant 29 : index
    %swap3A_390 = arith.constant 0 : index
    %swap3A_391 = arith.constant 0 : index
    %swap3A_392 = vector.load %arg4[%swap3A_389, %swap3A_390, %swap3A_391] : memref<32x50x50xf32, #tpu.memory_space<vmem>>, vector<1x50x50xf32>
    %swap3A_393 = vector.shape_cast %swap3A_392 : vector<1x50x50xf32> to vector<50x50xf32>
    %swap3A_394 = vector.shape_cast %dot_general3A_388 : vector<50x50xf32> to vector<1x50x50xf32>
    tpu.vector_store %arg4[%swap3A_389, %swap3A_390, %swap3A_391], %swap3A_394 {strides = array<i32>} : memref<32x50x50xf32, #tpu.memory_space<vmem>>, vector<1x50x50xf32>,
    %get3A_395 = arith.constant 0 : index
    %get3A_396 = arith.constant 0 : index
    %get3A_397 = vector.load %arg2[%get3A_395, %get3A_396] : memref<50x200xf32, #tpu.memory_space<vmem>>, vector<50x200xf32>
    %slice3A_398 = vector.extract_strided_slice %reshape3A_7 {offsets = [30, 0, 0], sizes = [1, 200, 50], strides = [1, 1, 1]} : vector<32x200x50xf32> to vector<1x200x50xf32>
    %squeeze3A_399 = vector.shape_cast %slice3A_398 : vector<1x200x50xf32> to vector<200x50xf32>
    %dot_general3A_400 = arith.constant dense<0.000000e+00> : vector<50x50xf32>
    %dot_general3A_401 = tpu.matmul %get3A_397, %squeeze3A_399, %dot_general3A_400 {dimension_numbers = #tpu.dot_dimension_numbers<[1], [0], [0], [1], [0, 0, 1, 1], [], []>, transpose_lhs_hint = false} : vector<50x200xf32>, vector<200x50xf32>, vector<50x50xf32> -> vector<50x50xf32>
    %swap3A_402 = arith.constant 30 : index
    %swap3A_403 = arith.constant 0 : index
    %swap3A_404 = arith.constant 0 : index
    %swap3A_405 = vector.load %arg4[%swap3A_402, %swap3A_403, %swap3A_404] : memref<32x50x50xf32, #tpu.memory_space<vmem>>, vector<1x50x50xf32>
    %swap3A_406 = vector.shape_cast %swap3A_405 : vector<1x50x50xf32> to vector<50x50xf32>
    %swap3A_407 = vector.shape_cast %dot_general3A_401 : vector<50x50xf32> to vector<1x50x50xf32>
    tpu.vector_store %arg4[%swap3A_402, %swap3A_403, %swap3A_404], %swap3A_407 {strides = array<i32>} : memref<32x50x50xf32, #tpu.memory_space<vmem>>, vector<1x50x50xf32>,
    %get3A_408 = arith.constant 0 : index
    %get3A_409 = arith.constant 0 : index
    %get3A_410 = vector.load %arg2[%get3A_408, %get3A_409] : memref<50x200xf32, #tpu.memory_space<vmem>>, vector<50x200xf32>
    %slice3A_411 = vector.extract_strided_slice %reshape3A_7 {offsets = [31, 0, 0], sizes = [1, 200, 50], strides = [1, 1, 1]} : vector<32x200x50xf32> to vector<1x200x50xf32>
    %squeeze3A_412 = vector.shape_cast %slice3A_411 : vector<1x200x50xf32> to vector<200x50xf32>
    %dot_general3A_413 = arith.constant dense<0.000000e+00> : vector<50x50xf32>
    %dot_general3A_414 = tpu.matmul %get3A_410, %squeeze3A_412, %dot_general3A_413 {dimension_numbers = #tpu.dot_dimension_numbers<[1], [0], [0], [1], [0, 0, 1, 1], [], []>, transpose_lhs_hint = false} : vector<50x200xf32>, vector<200x50xf32>, vector<50x50xf32> -> vector<50x50xf32>
    %swap3A_415 = arith.constant 31 : index
    %swap3A_416 = arith.constant 0 : index
    %swap3A_417 = arith.constant 0 : index
    %swap3A_418 = vector.load %arg4[%swap3A_415, %swap3A_416, %swap3A_417] : memref<32x50x50xf32, #tpu.memory_space<vmem>>, vector<1x50x50xf32>
    %swap3A_419 = vector.shape_cast %swap3A_418 : vector<1x50x50xf32> to vector<50x50xf32>
    %swap3A_420 = vector.shape_cast %dot_general3A_414 : vector<50x50xf32> to vector<1x50x50xf32>
    tpu.vector_store %arg4[%swap3A_415, %swap3A_416, %swap3A_417], %swap3A_420 {strides = array<i32>} : memref<32x50x50xf32, #tpu.memory_space<vmem>>, vector<1x50x50xf32>,
    return
  }
  func.func @transform_0(%arg0: i32) -> (i32, i32, i32) {
    %add3A = arith.constant 3 : i32
    %add3A_0 = arith.addi %add3A, %arg0 : i32
    %c0_i32 = arith.constant 0 : i32
    %c0_i32_1 = arith.constant 0 : i32
    %c0_i32_2 = arith.constant 0 : i32
    return %add3A_0, %c0_i32, %c0_i32_1 : i32, i32, i32
  }
  func.func @transform_1(%arg0: i32) -> (i32, i32) {
    %c0_i32 = arith.constant 0 : i32
    %c0_i32_0 = arith.constant 0 : i32
    %c0_i32_1 = arith.constant 0 : i32
    return %c0_i32, %c0_i32_0 : i32, i32
  }
  func.func @transform_2(%arg0: i32) -> (i32, i32) {
    %c0_i32 = arith.constant 0 : i32
    %c0_i32_0 = arith.constant 0 : i32
    %c0_i32_1 = arith.constant 0 : i32
    return %c0_i32, %c0_i32_0 : i32, i32
  }
  func.func @transform_3(%arg0: i32) -> (i32, i32, i32) {
    %c0_i32 = arith.constant 0 : i32
    %c0_i32_0 = arith.constant 0 : i32
    %c0_i32_1 = arith.constant 0 : i32
    return %arg0, %c0_i32, %c0_i32_0 : i32, i32, i32
  }
}

</mosaic_0001>

<sc_bundles>
// kernel: kernel.4.cloned.1.call-start
scs
__scs_entry_jumppad:
0x0: {  	(pc) =	sbr.rel $0x88, $3  }
0x1: {  	(tag) =	ssettag $0x0;
	lr =	simm.s32 $0x1  }
0x2: {  	[smem:$0x3FA0] =	sst lr;
	_ =	strace $0xD0000000  }
0x3: {  	_ = 	snop  }
0x4: {  	_ = 	snop  }
0x5: {  	_ = 	snop  }
0x6: {  	_ = 	snop  }
0x7: {  	_ = 	snop  }
__scs_overlays_trampoline_lowered:
0x8: {  	[smem:$0x3FAF] =	sst s0  }
0x9: {  	[smem:$0x3FB0] =	sst s1  }
0xa: {  	[smem:$0x3FB1] =	sst s2  }
0xb: {  	[smem:$0x3FB2] =	sst s3  }
0xc: {  	[smem:$0x3FB3] =	sst s4  }
0xd: {  	[smem:$0x3FB4] =	sst s5  }
0xe: {  	[smem:$0x3FB5] =	sst s6  }
0xf: {  	[smem:$0x3FB6] =	sst s7  }
0x10: {  	[smem:$0x3FB7] =	sst s8  }
0x11: {  	[smem:$0x3FB8] =	sst s9;
	s0 =	simm.s32 @!p0 $0x0  }
0x12: {  	s1 =	sld [smem:$0x3F9E];
	s0 =	simm.s32 @p0 $0x1  }
0x13: {  	[smem:$0x3FB9] =	sst s0;
	s0 =	simm.s32 @!p1 $0x0  }
0x14: {  	s2 =	sld [smem:$0x3F9D];
	s0 =	simm.s32 @p1 $0x1  }
0x15: {  	[smem:$0x3FBA] =	sst s0;
	s0 =	simm.s32 @!p2 $0x0  }
0x16: {  	s3 =	sld [smem:$0x3FDB];
	s0 =	simm.s32 @p2 $0x1  }
0x17: {  	s4 =	simm.s32 $0x1BF5;
	[smem:$0x3FBC] =	sst s0  }
0x18: {  	s0 =	sld [smem:$0x3F9F];
	_ =	swait.ge [sflag:s4], $0x0  }
0x19: {  	s7 =	sld [smem:$0x3FA0]  }
0x1a: {  	s8 =	sadd.s32 $0xFFFFE003, lr  }
0x1b: {  	s9 =	sadd.s32 $0xFFFFFEF7, lr;
	s5 =	simm.s32 $0xFFFFFFFF;
	p2 =	slt.u32 s8, $0xFFFFF086  }
0x1c: {  	p1 =	slt.u32 s9, $0xF7A;
	s5 =	simm.s32 @!p2 $0x0  }
0x1d: {  	s5 =	simm.s32 @p1 $0x1;
	p0 =	seq.s32 s7, s2  }
0x1e: {  	s7 =	smul.u32 @!p0 $0xF7A, s2;
	p2 =	seq.s32 @!p0 s5, $0x0  }
0x1f: {  	s9 =	smul.u32 $0xF7A, s1;
	s8 =	simm.s32 @!p0 $0x1BF5;
	p2 =	por !p2, p0  }
0x20: {  	[sflag:s8] =	ssyncset.s32 @!p0 $0xFFFFF086;
	s6 =	sadd.s32 @!p0 s3, s7;
	s7 =	simm.s32 @!p0 $0x108  }
0x21: {  	s3 =	sadd.s32 s3, s9;
	s6 =	sadd.s32 @!p0 $0x88, s6;
	s7 =	simm.s32 @p2 $0x1082  }
0x22: {  	[simem:s7], [sflag:s8] =	dma.local @!p0 [hbm:s6], $0xF7A  }
0x23: {  	s9 =	sor.u32 $0xD0000000, s2;
	s6 =	simm.s32 $0x108;
	_ =	swait.ge @!p0 [sflag:s8], $0x0  }
0x24: {  	s3 =	sadd.s32 $0x88, s3;
	s6 =	simm.s32 @!p1 $0x1082;
	[sflag:s4] =	ssyncset.s32 $0xFFFFF086  }
0x25: {  	[simem:s6], [sflag:s4] =	dma.local [hbm:s3], $0xF7A  }
0x26: {  	[smem:$0x3FA0] =	sst s1;
	(tag) =	ssettag s2;
	_ =	strace s9  }
0x27: {  	s1 =	sld [smem:$0x3FB0]  }
0x28: {  	s2 =	sld [smem:$0x3FB1]  }
0x29: {  	s4 =	sld [smem:$0x3FB3]  }
0x2a: {  	p0 =	seq.s32 s5, $0x0;
	s5 =	sld [smem:$0x3FB4]  }
0x2b: {  	s6 =	sld [smem:$0x3FB5]  }
0x2c: {  	s7 =	sld [smem:$0x3FB6]  }
0x2d: {  	s3 =	simm.s32 $0x108;
	s8 =	sld [smem:$0x3FB7]  }
0x2e: {  	s3 =	simm.s32 @!p0 $0x1082;
	s9 =	sld [smem:$0x3FB8]  }
0x2f: {  	lr =	sadd.s32 s0, s3;
	s0 =	sld [smem:$0x3FAF]  }
0x30: {  	s3 =	sld [smem:$0x3FB2]  }
0x31: {  	[smem:$0x3FBB] =	sst s10  }
0x32: {  	s10 =	sld [smem:$0x3FB9];
	_ =	sdelay $0x3  }
0x33: {  	p0 =	seq.s32 s10, $0x1;
	s10 =	sld [smem:$0x3FBB];
	_ =	sdelay $0x3  }
0x34: {  	[smem:$0x3FBB] =	sst s10  }
0x35: {  	s10 =	sld [smem:$0x3FBA];
	_ =	sdelay $0x3  }
0x36: {  	p1 =	seq.s32 s10, $0x1;
	s10 =	sld [smem:$0x3FBB];
	_ =	sdelay $0x3  }
0x37: {  	[smem:$0x3FBB] =	sst s10  }
0x38: {  	s10 =	sld [smem:$0x3FBC]  }
0x39: {  	_ = 	snop;
	(pc) =	sbr.ind lr, $3  }
0x3a: {  	_ = 	snop  }
0x3b: {  	_ = 	snop  }
0x3c: {  	p2 =	seq.s32 s10, $0x1;
	s10 =	sld [smem:$0x3FBB]  }
0x3d: {  	_ =	shalt  }
0x3e: {  	_ =	shalt  }
0x3f: {  	_ =	shalt  }
0x40: {  	_ =	shalt  }
0x41: {  	_ =	shalt  }
0x42: {  	_ =	shalt  }
0x43: {  	_ =	shalt  }
0x44: {  	_ =	shalt  }
0x45: {  	_ =	shalt  }
0x46: {  	_ =	shalt  }
0x47: {  	_ =	shalt  }
0x48: {  	_ =	shalt  }
0x49: {  	_ =	shalt  }
0x4a: {  	_ =	shalt  }
0x4b: {  	_ =	shalt  }
0x4c: {  	_ =	shalt  }
0x4d: {  	_ =	shalt  }
0x4e: {  	_ =	shalt  }
0x4f: {  	_ =	shalt  }
0x50: {  	_ =	shalt  }
0x51: {  	_ =	shalt  }
0x52: {  	_ =	shalt  }
0x53: {  	_ =	shalt  }
0x54: {  	_ =	shalt  }
0x55: {  	_ =	shalt  }
0x56: {  	_ =	shalt  }
0x57: {  	_ =	shalt  }
0x58: {  	_ =	shalt  }
0x59: {  	_ =	shalt  }
0x5a: {  	_ =	shalt  }
0x5b: {  	_ =	shalt  }
0x5c: {  	_ =	shalt  }
0x5d: {  	_ =	shalt  }
0x5e: {  	_ =	shalt  }
0x5f: {  	_ =	shalt  }
0x60: {  	_ =	shalt  }
0x61: {  	_ =	shalt  }
0x62: {  	_ =	shalt  }
0x63: {  	_ =	shalt  }
0x64: {  	_ =	shalt  }
0x65: {  	_ =	shalt  }
0x66: {  	_ =	shalt  }
0x67: {  	_ =	shalt  }
0x68: {  	_ =	shalt  }
0x69: {  	_ =	shalt  }
0x6a: {  	_ =	shalt  }
0x6b: {  	_ =	shalt  }
0x6c: {  	_ =	shalt  }
0x6d: {  	_ =	shalt  }
0x6e: {  	_ =	shalt  }
0x6f: {  	_ =	shalt  }
0x70: {  	_ =	shalt  }
0x71: {  	_ =	shalt  }
0x72: {  	_ =	shalt  }
0x73: {  	_ =	shalt  }
0x74: {  	_ =	shalt  }
0x75: {  	_ =	shalt  }
0x76: {  	_ =	shalt  }
0x77: {  	_ =	shalt  }
0x78: {  	_ =	shalt  }
0x79: {  	_ =	shalt  }
0x7a: {  	_ =	shalt  }
0x7b: {  	_ =	shalt  }
0x7c: {  	_ =	shalt  }
0x7d: {  	_ =	shalt  }
0x7e: {  	_ =	shalt  }
0x7f: {  	_ =	shalt  }
0x80: {  	_ =	shalt  }
0x81: {  	_ =	shalt  }
0x82: {  	_ =	shalt  }
0x83: {  	_ =	shalt  }
0x84: {  	_ =	shalt  }
0x85: {  	_ =	shalt  }
0x86: {  	_ =	shalt  }
0x87: {  	_ =	shalt  }
.Lfunc_end0:
.L_simem_size_0:
called_computation_lowered:
.L_overlay_start_0:
0x88: {  	s2 =	sld [smem:$0x3FD9]  }
0x89: {  	s3 =	sld [smem:$0x3FFE];
	_ =	sdelay $0x1  }
0x8a: {  	s1 =	srdreg.scid  }
0x8b: {  	s0 =	sand.u32 $0x1, s1  }
0x8c: {  	s15 =	sshll.u32 s0, $0xA;
	s2 =	sadd.s32 s3, s2  }
0x8d: {  	s2 =	sadd.s32 s2, s15  }
0x8e: {  	[smem:$0x3FC7] =	sst s2  }
0x8f: {  	_ = 	snop  }
0x90: {  	s2 =	sld [smem:$0x3FD0];
	_ =	sdelay $0x2  }
0x91: {  	s4 =	simm.s32 $0xA;
	s5 =	simm.s32 $0x10;
	s16 =	sld [smem:$0x3FC9]  }
0x92: {  	[smem:s5], [sflag:s4] =	dma.local [hbm:s2], $0x1  }
0x93: {  	_ =	swait.eq [sflag:s4], $0x1  }
0x94: {  	[sflag:s4] =	ssyncset.done $0x0  }
0x95: {  	[sflag:s4] =	ssyncadd.s32 $0xFFFFFFFF  }
0x96: {  	s17 =	sld [smem:$0x11];
	(tm) =	ssettm $0x1  }
0x97: {  	s18 =	sld [smem:$0x3FFB];
	_ =	sdelay $0x3  }
0x98: {  	_ =	strace s18  }
0x99: {  	s4 =	sld [smem:$0x3FFC];
	_ =	sdelay $0x3  }
0x9a: {  	_ =	strace s4  }
0x9b: {  	s4 =	sld [smem:$0x3FFD];
	_ =	sdelay $0x3  }
0x9c: {  	_ =	strace s4  }
0x9d: {  	_ =	strace $0x8FFFFFFF  }
0x9e: {  	s19 =	sld [smem:$0x3FDB];
	_ =	sdelay $0x1  }
0x9f: {  	s20 =	simm.s32 $_scs_section_size  }
0xa0: {  	s6 =	simm.s32 $_size__tile_overlayer_lowered;
	s7 =	simm.s32 $_tile_overlayer_lowered  }
0xa1: {  	s23 =	simm.s32 $0x1BFF;
	s22 =	sshll.u32 s7, $0x1;
	s4 =	sadd.s32 s20, s19  }
0xa2: {  	s8 =	simm.s32 $0x0;
	s21 =	sshll.u32 s6, $0x1;
	s6 =	sadd.s32 s22, s4  }
0xa3: {  	[timem:s8], [sflag:s23] =	dma.local [hbm:s6], s21  }
0xa4: {  	_ =	swait.ge [sflag:s23], s21  }
0xa5: {  	s5 =	ssub.s32 $0x0, s21;
	[sflag:s23] =	ssyncset.done $0x0  }
0xa6: {  	[sflag:s23] =	ssyncadd.s32 s5;
	_ =	sdelay $0x1  }
0xa7: {  	s24 =	simm.s32 $0x1B8B  }
0xa8: {  	_ =	swait.ge [sflag:s24], $0x1  }
0xa9: {  	[sflag:s24] =	ssyncset.done $0x0  }
0xaa: {  	s25 =	simm.s32 $0x1B8E;
	[sflag:s24] =	ssyncadd.s32 $0xFFFFFFFF  }
0xab: {  	s26 =	simm.s32 $execute0_lowered;
	[smem:$0x3FD2] =	sst s25  }
0xac: {  	s5 =	sshll.u32 s26, $0x1;
	_ =	strace $0x80000046;
	[dreg:$0x1] =	wrdreg $0xFFFFFFFF  }
0xad: {  	s28 =	simm.s32 $_size_execute0_lowered;
	s4 =	sadd.s32 s4, s5;
	[dreg:$0x0] =	wrdreg $0x0  }
0xae: {  	s5 =	sshll.u32 s28, $0x1;
	[dreg:$0x2] =	wrdreg s4  }
0xaf: {  	[dreg:$0x3] =	wrdreg s5  }
0xb0: {  	[dreg:$0x4] =	wrdreg $0xC0  }
0xb1: {  	_ =	task [dreg:s8], $0x5FFFF  }
0xb2: {  	[dreg:$0x1] =	wrdreg $0xFFFFFFFF  }
0xb3: {  	[dreg:$0x0] =	wrdreg $0x60  }
0xb4: {  	[dreg:$0x2] =	wrdreg s16  }
0xb5: {  	[dreg:$0x3] =	wrdreg s17  }
0xb6: {  	[dreg:$0x4] =	wrdreg $0x9  }
0xb7: {  	_ =	task.clear_ibuf [dreg:s8], $0x5FFFF;
	_ =	strace $0x90000046  }
0xb8: {  	s29 =	simm.s32 $0x9;
	_ =	strace $0x80000048  }
0xb9: {  	_ =	swait.ge [sflag:s29], $0x1  }
0xba: {  	[sflag:s29] =	ssyncadd.s32 $0xFFFFFFFF  }
0xbb: {  	_ =	strace $0x90000048  }
0xbc: {  	_ =	sfence  }
0xbd: {  	s30 =	sld [smem:$0x0];
	_ =	sdelay $0x2  }
0xbe: {  	s31 =	sshll.u32 s1, $0xD;
	s1 =	sshrl.u32 s1, $0x2  }
0xbf: {  	s3 =	sand.u32 $0x4000, s31;
	s1 =	sadd.s32 s1, s30  }
0xc0: {  	s0 =	sor.u32 s3, s0;
	s1 =	sshll.u32 s1, $0x11  }
0xc1: {  	s0 =	sor.u32 s1, s0  }
0xc2: {  	s0 =	sadd.s32 $0x8F2B, s0  }
0xc3: {  	[sflag:s0] =	ssyncadd.remote.s32 $0x1  }
0xc4: {  	_ =	sfence.sel $0xFFFF  }
0xc5: {  	[dreg:$0x0] =	wrdreg $0xFFFFFFFF;
	(pc) =	sbr.abs _section_cstart, $3  }
0xc6: {  	[dreg:$0x1] =	wrdreg $0xFFFFFFFF  }
0xc7: {  	_ =	task.clear_ibuf [dreg:s8], $0x2FFFF;
	_ =	strace $0x9FFFFFFF  }
0xc8: {  	(tm) =	ssettm $0x7FFFFFFF  }
0xc9: {  	_ =	shalt  }
tec
execute0_lowered:
.L_overlay_start_1:
0x0: {  	(tag) =	ssettag $0x1  }
0x1: {  	s1 =	srdreg.scid;
	s4 =	rddreg [dreg:$0x0]  }
0x2: {  	s0 =	stileid.u32;
	s8 =	rddreg [dreg:$0x1]  }
0x3: {  	s2 =	simm.s32 $0x0;
	s13 =	simm.s32 $0x400;
	s14 =	simm.s32 $0x19000  }
0x4: {  	s15 =	simm.s32 $0x3;
	s3 =	sand.u32 $0x1, s1;
	s26 =	sshll.u32 s0, $0x1  }
0x5: {  	s16 =	simm.s32 $0x2;
	s17 =	simm.s32 $0x0;
	s5 =	sor.u32 s3, s26  }
0x6: {  	s1 =	rddreg [dreg:$0x2];
	s3 =	ssub.s32 $0x2, s3;
	s6 =	smul.u32 $0x3, s5  }
0x7: {  	[smem:$0x7FF] =	sst s2;
	s7 =	smul.u32 $0x4B00, s5;
	s10 =	sshrl.u32 s3, $0x1  }
0x8: {  	v0 =	vimm.f32 $4.900000000e+01;
	_ =	strace $0x80000047;
	s5 =	smul.u32 $0x180, s5;
	s10 =	ssub.s32 s3, s10  }
0x9: {  	(erf) = vrcp.f32 v0;
	s9 =	sadd.s32 $0x1, s6;
	s3 =	sadd.s32 s4, s7;
	s28 =	sshrl.u32 s6, $0x3  }
0xa: {  	s6 =	sadd.s32 $0x2, s6;
	s5 =	sand.u32 $0x380, s5;
	s11 =	smul.u32 $0x1900, s9  }
0xb: {  	s7 =	smul.u32 $0x5000, s28;
	s29 =	sshrl.u32 s9, $0x3;
	s12 =	sshrl.u32 s6, $0x3  }
0xc: {  	s9 =	sshll.u32 s9, $0x7;
	s6 =	sshll.u32 s6, $0x7;
	s12 =	smul.u32 $0x5000, s12  }
0xd: {  	s30 =	sand.u32 $0x380, s9;
	s6 =	sand.u32 $0x380, s6;
	s9 =	smax.u32 s10, $0x1  }
0xe: {  	s4 =	sadd.s32 s4, s11;
	s11 =	smul.u32 $0x5000, s29;
	s5 =	sor.u32 s5, s7  }
0xf: {  	s10 =	simm.s32 $0xC800;
	s5 =	sshrl.u32 s5, $0x3;
	s6 =	sor.u32 s6, s12  }
0x10: {  	s12 =	simm.s32 $0x80;
	s7 =	sor.u32 s30, s11;
	s5 =	sadd.s32 s8, s5  }
0x11: {  	s31 =	sshrl.u32 s6, $0x3;
	s6 =	sadd.s32 $0x3200, s3;
	s7 =	sshrl.u32 s7, $0x3  }
0x12: {  	v1 =	vlaneseq.u32;
	s11 =	simm.s32 $0x1;
	s7 =	sadd.s32 s8, s7;
	s8 =	sadd.s32 s8, s31;
	v0 =	vpop (erf)  }
.LBB2_1:
0x13: {  	s18 =	simm.s32 $0x30  }
0x14: {  	s31 =	simm.s32 $0x10;
	v2 =	vor.u32 s18, v1  }
0x15: {  	s19 =	simm.s32 $0x20;
	v7 =	vor.u32 s2, v1;
	v4 =	vor.u32 s31, v1;
	v3 =	vmul.u32 $0x51F, v2  }
0x16: {  	v5 =	vor.u32 s19, v1;
	v10 =	vmul.u32 $0x51F, v7;
	v6 =	vmul.u32 $0x51F, v4  }
0x17: {  	v8 =	vmul.u32 $0x51F, v5;
	v3 =	vshrl.u32 v3, $0x10  }
0x18: {  	v10 =	vshrl.u32 v10, $0x10;
	v6 =	vshrl.u32 v6, $0x10;
	v9 =	vcvt.s32.f32 v3  }
0x19: {  	v8 =	vshrl.u32 v8, $0x10;
	v3 =	vmul.u32 $0xFFFFFFCE, v3;
	v11 =	vmul.u32 $0xFFFFFFCE, v6  }
0x1a: {  	v12 =	vmul.u32 $0xFFFFFFCE, v8;
	v6 =	vcvt.s32.f32 v6;
	v9 =	vmul.f32 v9, v0  }
0x1b: {  	v2 =	vadd.s32 v2, v3;
	v3 =	vadd.s32 v4, v11;
	v4 =	vmul.u32 $0xFFFFFFCE, v10  }
0x1c: {  	v5 =	vadd.s32 v5, v12;
	v45 =	vmul.f32 v6, v0;
	v2 =	vcvt.s32.f32 v2  }
0x1d: {  	v3 =	vcvt.s32.f32 v3;
	v5 =	vcvt.s32.f32 v5  }
0x1e: {  	v11 =	vmul.f32 $1.990000000e+02, v9;
	v4 =	vadd.s32 v7, v4;
	v2 =	vmul.f32 v2, v0  }
0x1f: {  	v4 =	vcvt.s32.f32 v4;
	v3 =	vmul.f32 v3, v0  }
0x20: {  	v43 =	vmul.f32 v5, v0;
	v9 =	vtrunc.f32 v11  }
0x21: {  	v7 =	vcvt.f32.s32 v9;
	v41 =	vmul.f32 $1.990000000e+02, v2  }
0x22: {  	v2 =	vcvt.s32.f32 v8;
	v8 =	vcvt.s32.f32 v10  }
0x23: {  	v4 =	vmul.f32 v4, v0;
	v6 =	vmul.f32 $1.990000000e+02, v3  }
0x24: {  	vm0 =	vlt.s32 v7, $0xC7;
	vm1 =	vlt.s32 v7, $0xC6;
	v9 =	vtrunc.f32 v41  }
0x25: {  	v2 =	vmul.f32 v2, v0;
	v48 =	vtrunc.f32 v6;
	v10 =	vnsel vm0, $0xC7, v7  }
0x26: {  	v7 =	vnsel vm1, $0xC6, v7;
	v9 =	vcvt.f32.s32 v9;
	v13 =	vshll.u32 v10, $0x7  }
0x27: {  	v7 =	vadd.s32 $0x1, v7;
	v14 =	vshll.u32 v10, $0x8;
	v2 =	vmul.f32 $1.990000000e+02, v2  }
0x28: {  	v10 =	vcvt.s32.f32 v10;
	v13 =	vand.u32 $0x380, v13;
	v15 =	vshll.u32 v7, $0x7  }
0x29: {  	vm6 =	vlt.s32 v9, $0xC7;
	vm7 =	vlt.s32 v9, $0xC6;
	v7 =	vshll.u32 v7, $0x8  }
0x2a: {  	v14 =	vand.u32 $0xFFFFF800, v14;
	v16 =	vnsel vm6, $0xC7, v9;
	v9 =	vnsel vm7, $0xC6, v9  }
0x2b: {  	v15 =	vand.u32 $0x380, v15;
	v7 =	vand.u32 $0xFFFFF800, v7;
	v11 =	vsub.f32 v11, v10  }
0x2c: {  	v54 =	vtrunc.f32 v2;
	v9 =	vadd.s32 $0x1, v9;
	v17 =	vshll.u32 v16, $0x3  }
0x2d: {  	v20 =	vand.u32 $0x7F, v16;
	v47 =	vcvt.s32.f32 v16;
	v16 =	vcvt.f32.s32 v48  }
0x2e: {  	v17 =	vand.u32 $0xFFFFFC00, v17;
	v18 =	vshll.u32 v9, $0x3;
	v21 =	vand.u32 $0x7F, v9  }
0x2f: {  	v51 =	vsub.f32 $1.000000000e+00, v11;
	v19 =	vadd.s32 v14, v17;
	v18 =	vand.u32 $0xFFFFFC00, v18  }
0x30: {  	v42 =	vadd.s32 v7, v17;
	v12 =	vsub.f32 v41, v47;
	vm8 =	vlt.s32 v16, $0xC6  }
0x31: {  	vm10 =	vlt.s32 v16, $0xC7;
	v19 =	vor.u32 v13, v19;
	v14 =	vadd.s32 v14, v18  }
0x32: {  	v5 =	vadd.s32 v7, v18;
	v7 =	vmul.f32 v8, v0;
	v18 =	vcvt.f32.s32 v54  }
0x33: {  	v56 =	vnsel vm8, $0xC6, v16;
	v16 =	vnsel vm10, $0xC7, v16;
	v19 =	vor.u32 v20, v19  }
0x34: {  	v9 =	vor.u32 v13, v14;
	v3 =	vor.u32 v15, v5;
	v5 =	vmul.f32 $1.990000000e+02, v4  }
0x35: {  	v4 =	vmul.f32 $1.990000000e+02, v45;
	v10 =	vsub.f32 $1.000000000e+00, v12;
	v27 =	vshll.u32 v16, $0x3  }
0x36: {  	v63 =	vand.u32 $0x7F, v16;
	v16 =	vcvt.s32.f32 v16;
	v14 =	vor.u32 v21, v9  }
0x37: {  	v9 =	vor.u32 v15, v42;
	v46 =	vor.u32 v21, v3;
	v3 =	vmul.f32 $1.990000000e+02, v7  }
0x38: {  	vm5 =	vlt.s32 v18, $0xC7;
	vm15 =	vlt.s32 v18, $0xC6;
	v27 =	vand.u32 $0xFFFFFC00, v27  }
0x39: {  	v44 =	vor.u32 v20, v9;
	v9 =	vmul.f32 $1.990000000e+02, v43;
	v49 =	vtrunc.f32 v5  }
0x3a: {  	v52 =	vtrunc.f32 v4;
	v22 =	vnsel vm5, $0xC7, v18;
	v18 =	vnsel vm15, $0xC6, v18  }
0x3b: {  	[tilespmem:s2], [sflag:$0x1] =	stream.linear.gather [hbm4b:s3+s2], $0xC800, $0x38;
	v6 =	vsub.f32 v6, v16;
	v15 =	vcvt.f32.s32 v49;
	v53 =	vtrunc.f32 v3;
	[tilespmem:$0x19A00] =	vst v63  }
0x3c: {  	v55 =	vcvt.f32.s32 v52;
	v31 =	vshll.u32 v22, $0x8;
	v18 =	vadd.s32 $0x1, v18  }
0x3d: {  	[tilespmem:s10], [sflag:$0x2] =	stream.linear.gather [hbm4b:s4+s2], $0xC800, $0x38;
	v34 =	vshll.u32 v22, $0x7;
	v45 =	vcvt.s32.f32 v22;
	v50 =	vtrunc.f32 v9;
	[tilespmem:$0x19A00] =	vst v63  }
0x3e: {  	_ =	swait.ge [sflag:s11], $0xC800;
	v31 =	vand.u32 $0xFFFFF800, v31;
	v34 =	vand.u32 $0x380, v34;
	v61 =	vshll.u32 v18, $0x8  }
0x3f: {  	[sflag:s11] =	ssyncset.done $0x0;
	v18 =	vshll.u32 v18, $0x7;
	v48 =	vsub.f32 $1.000000000e+00, v6;
	v17 =	vcvt.f32.s32 v50  }
0x40: {  	[sflag:s11] =	ssyncadd.s32 $0xFFFF3800;
	vm2 =	vlt.s32 v15, $0xC6;
	vm11 =	vlt.s32 v15, $0xC7;
	vm4 =	vlt.s32 v55, $0xC7  }
0x41: {  	v8 =	vld.idx.msk [tilespmem:v19+s2+$0x0], $0xffff;
	v19 =	vadd.s32 $0x1, v56;
	vm14 =	vlt.s32 v55, $0xC6;
	v18 =	vand.u32 $0x380, v18  }
0x42: {  	v59 =	vnsel vm4, $0xC7, v55;
	v24 =	vshll.u32 v19, $0x3;
	v19 =	vand.u32 $0x7F, v19  }
0x43: {  	vm9 =	vlt.s32 v17, $0xC6;
	vm12 =	vlt.s32 v17, $0xC7;
	v30 =	vshll.u32 v59, $0x8  }
0x44: {  	v14 =	vld.idx.msk [tilespmem:v14+s2+$0x0], $0xffff;
	v24 =	vand.u32 $0xFFFFFC00, v24;
	v32 =	vshll.u32 v59, $0x7;
	v21 =	vcvt.s32.f32 v59  }
0x45: {  	v13 =	vld.idx.msk [tilespmem:v46+s2+$0x0], $0xffff;
	v57 =	vnsel vm9, $0xC6, v17;
	v17 =	vnsel vm12, $0xC7, v17;
	v30 =	vand.u32 $0xFFFFF800, v30  }
0x46: {  	v32 =	vand.u32 $0x380, v32;
	v28 =	vshll.u32 v17, $0x3;
	v36 =	vadd.s32 v30, v24  }
0x47: {  	v7 =	vld.idx.msk [tilespmem:v44+s2+$0x0], $0xffff;
	v30 =	vadd.s32 v30, v27;
	v39 =	vand.u32 $0x7F, v17;
	v17 =	vcvt.s32.f32 v17  }
0x48: {  	v21 =	vsub.f32 v4, v21;
	v8 =	vmul.f32 v8, v10;
	v28 =	vand.u32 $0xFFFFFC00, v28  }
0x49: {  	v36 =	vor.u32 v32, v36;
	v30 =	vor.u32 v32, v30;
	v32 =	vand.u32 $0xFFFFF800, v61  }
0x4a: {  	v14 =	vmul.f32 v14, v12;
	v12 =	vmul.f32 v13, v12;
	v13 =	vnsel vm14, $0xC6, v55  }
0x4b: {  	v36 =	vor.u32 v19, v36;
	v30 =	vor.u32 v63, v30;
	v9 =	vsub.f32 v9, v17  }
0x4c: {  	v55 =	vsub.f32 $1.000000000e+00, v21;
	v7 =	vmul.f32 v7, v10;
	v8 =	vmul.f32 v8, v51  }
0x4d: {  	v13 =	vadd.s32 $0x1, v13;
	v10 =	vmul.f32 v14, v51;
	v14 =	vcvt.f32.s32 v53  }
0x4e: {  	v38 =	vshll.u32 v13, $0x8;
	v13 =	vshll.u32 v13, $0x7;
	v7 =	vmul.f32 v7, v11  }
0x4f: {  	v38 =	vand.u32 $0xFFFFF800, v38;
	v13 =	vand.u32 $0x380, v13;
	v10 =	vadd.f32 v10, v8  }
0x50: {  	v8 =	vmul.f32 v12, v11;
	v11 =	vnsel vm2, $0xC6, v15;
	vm3 =	vlt.s32 v14, $0xC7  }
0x51: {  	v12 =	vadd.s32 $0x1, v57;
	v15 =	vnsel vm11, $0xC7, v15;
	vm13 =	vlt.s32 v14, $0xC6  }
0x52: {  	v27 =	vadd.s32 v38, v27;
	v24 =	vadd.s32 v38, v24;
	v11 =	vadd.s32 $0x1, v11  }
0x53: {  	v58 =	vnsel vm3, $0xC7, v14;
	v25 =	vshll.u32 v12, $0x3;
	v26 =	vshll.u32 v15, $0x3  }
0x54: {  	v14 =	vnsel vm13, $0xC6, v14;
	v62 =	vand.u32 $0x7F, v15;
	v12 =	vand.u32 $0x7F, v12  }
0x55: {  	v27 =	vor.u32 v13, v27;
	v15 =	vcvt.s32.f32 v15;
	v13 =	vor.u32 v13, v24  }
0x56: {  	v23 =	vshll.u32 v11, $0x3;
	v29 =	vshll.u32 v58, $0x8;
	v25 =	vand.u32 $0xFFFFFC00, v25  }
0x57: {  	v26 =	vand.u32 $0xFFFFFC00, v26;
	v14 =	vadd.s32 $0x1, v14;
	v33 =	vshll.u32 v58, $0x7  }
0x58: {  	v11 =	vand.u32 $0x7F, v11;
	v27 =	vor.u32 v63, v27;
	v44 =	vcvt.s32.f32 v58  }
0x59: {  	v13 =	vor.u32 v19, v13;
	v23 =	vand.u32 $0xFFFFFC00, v23;
	v29 =	vand.u32 $0xFFFFF800, v29  }
0x5a: {  	v37 =	vadd.s32 v31, v25;
	v31 =	vadd.s32 v31, v28;
	v33 =	vand.u32 $0x380, v33  }
0x5b: {  	v60 =	vshll.u32 v14, $0x8;
	v14 =	vshll.u32 v14, $0x7;
	v37 =	vor.u32 v34, v37  }
0x5c: {  	v28 =	vadd.s32 v32, v28;
	v31 =	vor.u32 v34, v31;
	v37 =	vor.u32 v12, v37  }
0x5d: {  	v40 =	vld.idx.msk [tilespmem:v36+s2+$0x0], $0xffff;
	v35 =	vadd.s32 v29, v23;
	v28 =	vor.u32 v18, v28;
	v31 =	vor.u32 v39, v31  }
0x5e: {  	v43 =	vld.idx.msk [tilespmem:v30+s2+$0x0], $0xffff;
	v29 =	vadd.s32 v29, v26;
	v35 =	vor.u32 v33, v35;
	v28 =	vor.u32 v39, v28  }
0x5f: {  	v29 =	vor.u32 v33, v29;
	v33 =	vand.u32 $0xFFFFF800, v60;
	v35 =	vor.u32 v11, v35;
	v51 =	vld.idx.msk [tilespmem:v27+s2+$0x0], $0xffff  }
0x60: {  	v14 =	vand.u32 $0x380, v14;
	v26 =	vadd.s32 v33, v26;
	v29 =	vor.u32 v62, v29;
	v13 =	vld.idx.msk [tilespmem:v13+s2+$0x0], $0xffff  }
0x61: {  	v7 =	vadd.f32 v7, v10;
	v25 =	vadd.s32 v32, v25;
	v26 =	vor.u32 v14, v26;
	v41 =	vld.idx.msk [tilespmem:v37+s2+$0x0], $0xffff  }
0x62: {  	v18 =	vor.u32 v18, v25;
	v4 =	vsub.f32 v3, v44;
	v26 =	vor.u32 v62, v26;
	v46 =	vld.idx.msk [tilespmem:v31+s2+$0x0], $0xffff  }
0x63: {  	v3 =	vsub.f32 v2, v45;
	v12 =	vor.u32 v12, v18;
	v23 =	vadd.s32 v33, v23;
	v54 =	vld.idx.msk [tilespmem:v28+s2+$0x0], $0xffff  }
0x64: {  	v49 =	vmul.f32 v40, v6;
	v2 =	vmul.f32 v43, v48;
	v14 =	vor.u32 v14, v23;
	v42 =	vld.idx.msk [tilespmem:v35+s2+$0x0], $0xffff  }
0x65: {  	v50 =	vsub.f32 $1.000000000e+00, v9;
	v5 =	vsub.f32 v5, v15;
	v11 =	vor.u32 v11, v14;
	v47 =	vld.idx.msk [tilespmem:v29+s2+$0x0], $0xffff  }
0x66: {  	v7 =	vadd.f32 v8, v7;
	v2 =	vmul.f32 v2, v55;
	v10 =	vmul.f32 v49, v55  }
0x67: {  	v52 =	vsub.f32 $1.000000000e+00, v5;
	v8 =	vmul.f32 v51, v48;
	v6 =	vmul.f32 v13, v6;
	v56 =	vld.idx.msk [tilespmem:v26+s2+$0x0], $0xffff  }
0x68: {  	v58 =	vsub.f32 $1.000000000e+00, v3;
	v53 =	vmul.f32 v41, v9;
	v22 =	vmul.f32 v46, v50  }
0x69: {  	v57 =	vsub.f32 $1.000000000e+00, v4;
	v12 =	vld.idx.msk [tilespmem:v12+s2+$0x0], $0xffff;
	v17 =	vmul.f32 v54, v50;
	v16 =	vmul.f32 v42, v5  }
0x6a: {  	v11 =	vld.idx.msk [tilespmem:v11+s2+$0x0], $0xffff;
	v14 =	vmul.f32 v47, v52;
	v60 =	vmul.f32 v53, v58  }
0x6b: {  	v2 =	vadd.f32 v10, v2;
	v10 =	vmul.f32 v22, v58;
	v59 =	vmul.f32 v16, v57  }
0x6c: {  	v14 =	vmul.f32 v14, v57;
	v61 =	vmul.f32 v56, v52  }
0x6d: {  	v62 =	vmul.f32 v8, v21;
	v17 =	vmul.f32 v17, v3  }
0x6e: {  	v10 =	vadd.f32 v60, v10;
	v14 =	vadd.f32 v59, v14;
	v63 =	vmul.f32 v61, v4  }
0x6f: {  	s18 =	simm.s32 $0x19020;
	v9 =	vmul.f32 v12, v9;
	v8 =	vmul.f32 v11, v5;
	v5 =	vadd.f32 v62, v2  }
0x70: {  	s20 =	simm.s32 $0x40;
	s19 =	simm.s32 $0x0;
	[tilespmem:s18+$0x10] =	vst v7;
	v6 =	vmul.f32 v6, v21;
	v7 =	vadd.f32 v17, v10;
	v2 =	vadd.f32 v63, v14  }
.LBB2_2:
0x71: {  	v10 =	vor.u32 s20, v1;
	s21 =	sadd.s32 $0x10, s20;
	s22 =	sadd.s32 $0x20, s20;
	s23 =	sadd.s32 $0x30, s20;
	v4 =	vmul.f32 v8, v4;
	v3 =	vmul.f32 v9, v3  }
0x72: {  	s19 =	sadd.s32 $0x4, s19;
	v8 =	vor.u32 s21, v1;
	v9 =	vor.u32 s22, v1;
	v11 =	vor.u32 s23, v1  }
0x73: {  	p0 =	slt.u32 s19, $0x9C;
	v12 =	vmul.u32 $0x51F, v8;
	v13 =	vmul.u32 $0x51F, v9;
	v14 =	vmul.u32 $0x51F, v11  }
0x74: {  	v15 =	vmul.u32 $0x51F, v10;
	v5 =	vadd.f32 v6, v5;
	v3 =	vadd.f32 v3, v7  }
0x75: {  	v6 =	vshrl.u32 v12, $0x10;
	v7 =	vshrl.u32 v13, $0x10;
	v12 =	vshrl.u32 v14, $0x10  }
0x76: {  	v13 =	vshrl.u32 v15, $0x10;
	v14 =	vmul.u32 $0xFFFFFFCE, v6;
	v15 =	vcvt.s32.f32 v12;
	[tilespmem:s18+$0xFFFFFFF0] =	vst v5  }
0x77: {  	v5 =	vmul.u32 $0xFFFFFFCE, v13;
	v16 =	vmul.u32 $0xFFFFFFCE, v7;
	v12 =	vmul.u32 $0xFFFFFFCE, v12;
	[tilespmem:s18+$0x0] =	vst v3  }
0x78: {  	v6 =	vcvt.s32.f32 v6;
	v3 =	vadd.s32 v8, v14;
	v8 =	vmul.f32 v15, v0  }
0x79: {  	v5 =	vadd.s32 v10, v5;
	v9 =	vadd.s32 v9, v16;
	v10 =	vadd.s32 v11, v12  }
0x7a: {  	v2 =	vadd.f32 v4, v2;
	v10 =	vcvt.s32.f32 v10;
	v8 =	vmul.f32 $1.990000000e+02, v8  }
0x7b: {  	v3 =	vcvt.s32.f32 v3;
	v4 =	vcvt.s32.f32 v9  }
0x7c: {  	v9 =	vmul.f32 v10, v0;
	v10 =	vtrunc.f32 v8;
	[tilespmem:s18+$0xFFFFFFE0] =	vst v2  }
0x7d: {  	v2 =	vcvt.s32.f32 v5;
	v5 =	vcvt.f32.s32 v10  }
0x7e: {  	v7 =	vcvt.s32.f32 v7;
	v9 =	vmul.f32 $1.990000000e+02, v9  }
0x7f: {  	v10 =	vcvt.s32.f32 v13;
	vm0 =	vlt.s32 v5, $0xC7;
	vm1 =	vlt.s32 v5, $0xC6  }
0x80: {  	v11 =	vtrunc.f32 v9;
	v12 =	vnsel vm0, $0xC7, v5;
	v5 =	vnsel vm1, $0xC6, v5  }
0x81: {  	v11 =	vcvt.f32.s32 v11;
	v5 =	vadd.s32 $0x1, v5;
	v13 =	vshll.u32 v12, $0x7  }
0x82: {  	v14 =	vshll.u32 v12, $0x8;
	v13 =	vand.u32 $0x380, v13;
	v15 =	vshll.u32 v5, $0x7  }
0x83: {  	vm0 =	vlt.s32 v11, $0xC7;
	vm1 =	vlt.s32 v11, $0xC6;
	v5 =	vshll.u32 v5, $0x8  }
0x84: {  	v14 =	vand.u32 $0xFFFFF800, v14;
	v16 =	vnsel vm0, $0xC7, v11;
	v11 =	vnsel vm1, $0xC6, v11  }
0x85: {  	v15 =	vand.u32 $0x380, v15;
	v11 =	vadd.s32 $0x1, v11;
	v17 =	vshll.u32 v16, $0x3  }
0x86: {  	v5 =	vand.u32 $0xFFFFF800, v5;
	v17 =	vand.u32 $0xFFFFFC00, v17;
	v18 =	vshll.u32 v11, $0x3  }
0x87: {  	v19 =	vand.u32 $0x7F, v16;
	v20 =	vadd.s32 v14, v17;
	v18 =	vand.u32 $0xFFFFFC00, v18  }
0x88: {  	v11 =	vand.u32 $0x7F, v11;
	v20 =	vor.u32 v13, v20;
	v14 =	vadd.s32 v14, v18  }
0x89: {  	v20 =	vor.u32 v19, v20;
	v13 =	vor.u32 v13, v14;
	v14 =	vadd.s32 v5, v17  }
0x8a: {  	v3 =	vmul.f32 v3, v0;
	v13 =	vor.u32 v11, v13;
	v14 =	vor.u32 v15, v14  }
0x8b: {  	v4 =	vmul.f32 v4, v0;
	v2 =	vmul.f32 v2, v0;
	v14 =	vor.u32 v19, v14  }
0x8c: {  	v17 =	vmul.f32 v6, v0;
	v5 =	vadd.s32 v5, v18;
	v19 =	vmul.f32 v7, v0  }
0x8d: {  	v10 =	vmul.f32 v10, v0;
	v6 =	vmul.f32 $1.990000000e+02, v3;
	v3 =	vor.u32 v15, v5  }
0x8e: {  	v5 =	vmul.f32 $1.990000000e+02, v2;
	v7 =	vmul.f32 $1.990000000e+02, v4;
	v11 =	vor.u32 v11, v3;
	v15 =	vld.idx.msk [tilespmem:v20+s2+$0x0], $0xffff  }
0x8f: {  	v16 =	vcvt.s32.f32 v16;
	v2 =	vmul.f32 $1.990000000e+02, v17;
	v13 =	vld.idx.msk [tilespmem:v13+s2+$0x0], $0xffff  }
0x90: {  	v4 =	vmul.f32 $1.990000000e+02, v10;
	v3 =	vmul.f32 $1.990000000e+02, v19;
	v10 =	vld.idx.msk [tilespmem:v14+s2+$0x0], $0xffff  }
0x91: {  	v12 =	vcvt.s32.f32 v12;
	v9 =	vsub.f32 v9, v16;
	v14 =	vtrunc.f32 v6  }
0x92: {  	v16 =	vtrunc.f32 v5;
	v17 =	vtrunc.f32 v7  }
0x93: {  	v8 =	vsub.f32 v8, v12;
	v12 =	vsub.f32 $1.000000000e+00, v9;
	v14 =	vcvt.f32.s32 v14;
	v11 =	vld.idx.msk [tilespmem:v11+s2+$0x0], $0xffff  }
0x94: {  	v16 =	vcvt.f32.s32 v16;
	v17 =	vcvt.f32.s32 v17  }
0x95: {  	v18 =	vsub.f32 $1.000000000e+00, v8;
	v15 =	vmul.f32 v15, v12;
	v13 =	vmul.f32 v13, v9  }
0x96: {  	v19 =	vtrunc.f32 v2;
	vm0 =	vlt.s32 v14, $0xC6;
	v10 =	vmul.f32 v10, v12  }
0x97: {  	vm1 =	vlt.s32 v17, $0xC6;
	v12 =	vmul.f32 v15, v18;
	v13 =	vmul.f32 v13, v18  }
0x98: {  	vm2 =	vlt.s32 v16, $0xC6;
	v15 =	vtrunc.f32 v4;
	v18 =	vtrunc.f32 v3  }
0x99: {  	v10 =	vmul.f32 v10, v8;
	v12 =	vadd.f32 v13, v12;
	v9 =	vmul.f32 v11, v9  }
0x9a: {  	v18 =	vcvt.f32.s32 v18;
	v11 =	vcvt.f32.s32 v19;
	v13 =	vnsel vm0, $0xC6, v14  }
0x9b: {  	v15 =	vcvt.f32.s32 v15;
	v10 =	vadd.f32 v10, v12;
	v8 =	vmul.f32 v9, v8  }
0x9c: {  	vm0 =	vlt.s32 v14, $0xC7;
	v9 =	vnsel vm2, $0xC6, v16;
	v12 =	vnsel vm1, $0xC6, v17  }
0x9d: {  	vm1 =	vlt.s32 v16, $0xC7;
	vm2 =	vlt.s32 v17, $0xC7;
	v8 =	vadd.f32 v8, v10  }
0x9e: {  	s18 =	sadd.s32 $0x40, s18;
	vm3 =	vlt.s32 v15, $0xC7;
	vm5 =	vlt.s32 v18, $0xC7;
	vm4 =	vlt.s32 v11, $0xC7  }
0x9f: {  	v9 =	vadd.s32 $0x1, v9;
	v12 =	vadd.s32 $0x1, v12;
	v10 =	vadd.s32 $0x1, v13;
	[tilespmem:s18+$0x10] =	vst v8  }
0xa0: {  	v13 =	vnsel vm0, $0xC7, v14;
	v14 =	vnsel vm2, $0xC7, v17;
	v8 =	vnsel vm1, $0xC7, v16  }
0xa1: {  	v19 =	vnsel vm5, $0xC7, v18;
	v17 =	vnsel vm4, $0xC7, v11;
	v16 =	vnsel vm3, $0xC7, v15  }
0xa2: {  	vm0 =	vlt.s32 v15, $0xC6;
	vm2 =	vlt.s32 v18, $0xC6;
	vm1 =	vlt.s32 v11, $0xC6  }
0xa3: {  	v20 =	vshll.u32 v9, $0x3;
	v22 =	vshll.u32 v12, $0x3;
	v21 =	vshll.u32 v10, $0x3  }
0xa4: {  	v24 =	vshll.u32 v13, $0x3;
	v25 =	vshll.u32 v14, $0x3;
	v23 =	vshll.u32 v8, $0x3  }
0xa5: {  	v28 =	vshll.u32 v19, $0x8;
	v27 =	vshll.u32 v17, $0x8;
	v26 =	vshll.u32 v16, $0x8  }
0xa6: {  	v18 =	vnsel vm2, $0xC6, v18;
	v15 =	vnsel vm0, $0xC6, v15;
	v11 =	vnsel vm1, $0xC6, v11  }
0xa7: {  	v20 =	vand.u32 $0xFFFFFC00, v20;
	v22 =	vand.u32 $0xFFFFFC00, v22;
	v21 =	vand.u32 $0xFFFFFC00, v21  }
0xa8: {  	v24 =	vand.u32 $0xFFFFFC00, v24;
	v25 =	vand.u32 $0xFFFFFC00, v25;
	v23 =	vand.u32 $0xFFFFFC00, v23  }
0xa9: {  	v28 =	vand.u32 $0xFFFFF800, v28;
	v27 =	vand.u32 $0xFFFFF800, v27;
	v26 =	vand.u32 $0xFFFFF800, v26  }
0xaa: {  	v29 =	vshll.u32 v17, $0x7;
	v18 =	vadd.s32 $0x1, v18;
	v11 =	vadd.s32 $0x1, v11  }
0xab: {  	v31 =	vshll.u32 v19, $0x7;
	v15 =	vadd.s32 $0x1, v15;
	v30 =	vshll.u32 v16, $0x7  }
0xac: {  	v34 =	vadd.s32 v28, v22;
	v33 =	vadd.s32 v27, v21;
	v32 =	vadd.s32 v26, v20  }
0xad: {  	v27 =	vadd.s32 v27, v24;
	v28 =	vadd.s32 v28, v25;
	v26 =	vadd.s32 v26, v23  }
0xae: {  	v31 =	vand.u32 $0x380, v31;
	v29 =	vand.u32 $0x380, v29;
	v35 =	vshll.u32 v11, $0x8  }
0xaf: {  	v37 =	vshll.u32 v18, $0x8;
	v30 =	vand.u32 $0x380, v30;
	v36 =	vshll.u32 v15, $0x8  }
0xb0: {  	v34 =	vor.u32 v31, v34;
	v33 =	vor.u32 v29, v33;
	v32 =	vor.u32 v30, v32  }
0xb1: {  	v27 =	vor.u32 v29, v27;
	v28 =	vor.u32 v31, v28;
	v26 =	vor.u32 v30, v26  }
0xb2: {  	v9 =	vand.u32 $0x7F, v9;
	v12 =	vand.u32 $0x7F, v12;
	v10 =	vand.u32 $0x7F, v10  }
0xb3: {  	v29 =	vand.u32 $0x7F, v8;
	v31 =	vand.u32 $0x7F, v14;
	v30 =	vand.u32 $0x7F, v13  }
0xb4: {  	v37 =	vand.u32 $0xFFFFF800, v37;
	v36 =	vand.u32 $0xFFFFF800, v36;
	v35 =	vand.u32 $0xFFFFF800, v35  }
0xb5: {  	v18 =	vshll.u32 v18, $0x7;
	v15 =	vshll.u32 v15, $0x7;
	v11 =	vshll.u32 v11, $0x7  }
0xb6: {  	v34 =	vor.u32 v12, v34;
	v33 =	vor.u32 v10, v33;
	v32 =	vor.u32 v9, v32  }
0xb7: {  	v28 =	vor.u32 v31, v28;
	v26 =	vor.u32 v29, v26;
	v27 =	vor.u32 v30, v27  }
0xb8: {  	v25 =	vadd.s32 v37, v25;
	v23 =	vadd.s32 v36, v23;
	v24 =	vadd.s32 v35, v24  }
0xb9: {  	v18 =	vand.u32 $0x380, v18;
	v15 =	vand.u32 $0x380, v15;
	v11 =	vand.u32 $0x380, v11  }
0xba: {  	v14 =	vcvt.s32.f32 v14;
	v13 =	vcvt.s32.f32 v13;
	v24 =	vor.u32 v11, v24  }
0xbb: {  	v8 =	vcvt.s32.f32 v8;
	v25 =	vor.u32 v18, v25;
	v23 =	vor.u32 v15, v23;
	v33 =	vld.idx.msk [tilespmem:v33+s2+$0x0], $0xffff  }
0xbc: {  	v25 =	vor.u32 v31, v25;
	v23 =	vor.u32 v29, v23;
	v24 =	vor.u32 v30, v24;
	v29 =	vld.idx.msk [tilespmem:v34+s2+$0x0], $0xffff  }
0xbd: {  	v22 =	vadd.s32 v37, v22;
	v20 =	vadd.s32 v36, v20;
	v21 =	vadd.s32 v35, v21;
	v30 =	vld.idx.msk [tilespmem:v32+s2+$0x0], $0xffff  }
0xbe: {  	v7 =	vsub.f32 v7, v14;
	v6 =	vsub.f32 v6, v13;
	v13 =	vcvt.s32.f32 v17;
	v17 =	vld.idx.msk [tilespmem:v27+s2+$0x0], $0xffff  }
0xbf: {  	v5 =	vsub.f32 v5, v8;
	v8 =	vcvt.s32.f32 v16;
	v14 =	vcvt.s32.f32 v19;
	v16 =	vld.idx.msk [tilespmem:v28+s2+$0x0], $0xffff  }
0xc0: {  	v18 =	vor.u32 v18, v22;
	v15 =	vor.u32 v15, v20;
	v11 =	vor.u32 v11, v21;
	v19 =	vld.idx.msk [tilespmem:v26+s2+$0x0], $0xffff  }
0xc1: {  	v9 =	vor.u32 v9, v15;
	v10 =	vor.u32 v10, v11;
	v11 =	vor.u32 v12, v18;
	v15 =	vld.idx.msk [tilespmem:v24+s2+$0x0], $0xffff  }
0xc2: {  	v21 =	vsub.f32 $1.000000000e+00, v7;
	v12 =	vsub.f32 $1.000000000e+00, v6;
	v18 =	vmul.f32 v33, v6;
	v20 =	vld.idx.msk [tilespmem:v25+s2+$0x0], $0xffff  }
0xc3: {  	v13 =	vsub.f32 v2, v13;
	v2 =	vmul.f32 v29, v7;
	v22 =	vld.idx.msk [tilespmem:v23+s2+$0x0], $0xffff;
	v23 =	vsub.f32 $1.000000000e+00, v5  }
0xc4: {  	v4 =	vsub.f32 v4, v8;
	v3 =	vsub.f32 v3, v14;
	v8 =	vmul.f32 v30, v5  }
0xc5: {  	v14 =	vmul.f32 v17, v12;
	v17 =	vsub.f32 $1.000000000e+00, v13;
	v16 =	vmul.f32 v16, v21  }
0xc6: {  	v24 =	vsub.f32 $1.000000000e+00, v4;
	v25 =	vsub.f32 $1.000000000e+00, v3;
	v19 =	vmul.f32 v19, v23;
	v10 =	vld.idx.msk [tilespmem:v10+s2+$0x0], $0xffff  }
0xc7: {  	v14 =	vmul.f32 v14, v17;
	v17 =	vmul.f32 v18, v17;
	v11 =	vld.idx.msk [tilespmem:v11+s2+$0x0], $0xffff  }
0xc8: {  	v8 =	vmul.f32 v8, v24;
	v2 =	vmul.f32 v2, v25;
	v9 =	vld.idx.msk [tilespmem:v9+s2+$0x0], $0xffff  }
0xc9: {  	v16 =	vmul.f32 v16, v25;
	v18 =	vmul.f32 v19, v24;
	v14 =	vadd.f32 v17, v14  }
0xca: {  	v12 =	vmul.f32 v15, v12;
	v15 =	vmul.f32 v20, v21  }
.Ltmp0:
0xcb: {  	v16 =	vadd.f32 v2, v16;
	v17 =	vadd.f32 v8, v18;
	v8 =	vmul.f32 v22, v23;
	(pc) =	sbr.rel @p0 .LBB2_2-.Ltmp0, $4  }
0xcc: {  	v2 =	vmul.f32 v12, v13;
	v12 =	vmul.f32 v15, v3  }
0xcd: {  	v15 =	vmul.f32 v8, v4;
	v6 =	vmul.f32 v10, v6  }
0xce: {  	v8 =	vmul.f32 v9, v5;
	v5 =	vadd.f32 v2, v14;
	v9 =	vmul.f32 v11, v7  }
0xcf: {  	s20 =	sadd.s32 $0x40, s20;
	v2 =	vadd.f32 v15, v17;
	v6 =	vmul.f32 v6, v13;
	v7 =	vadd.f32 v12, v16  }
0xd0: {  	s19 =	simm.s32 $0x30;
	v3 =	vmul.f32 v9, v3;
	v4 =	vmul.f32 v8, v4;
	s30 =	simm.s32 $0x10  }
0xd1: {  	s31 =	simm.s32 $0x0;
	v9 =	vor.u32 s19, v1;
	v5 =	vadd.f32 v6, v5;
	v6 =	vor.u32 s30, v1  }
0xd2: {  	s20 =	simm.s32 $0x20;
	v11 =	vor.u32 s31, v1;
	v8 =	vmul.u32 $0x51F, v9;
	v3 =	vadd.f32 v3, v7  }
0xd3: {  	v7 =	vor.u32 s20, v1;
	v10 =	vmul.u32 $0x51F, v6;
	v14 =	vmul.u32 $0x51F, v11  }
0xd4: {  	v12 =	vmul.u32 $0x51F, v7  }
0xd5: {  	v8 =	vshrl.u32 v8, $0x10;
	v10 =	vshrl.u32 v10, $0x10;
	v14 =	vshrl.u32 v14, $0x10  }
0xd6: {  	v13 =	vcvt.s32.f32 v8;
	v8 =	vmul.u32 $0xFFFFFFCE, v8;
	v12 =	vshrl.u32 v12, $0x10  }
0xd7: {  	v15 =	vmul.u32 $0xFFFFFFCE, v10;
	v10 =	vcvt.s32.f32 v10;
	v38 =	vcvt.s32.f32 v14  }
0xd8: {  	v16 =	vmul.u32 $0xFFFFFFCE, v12;
	v13 =	vmul.f32 v13, v0;
	v8 =	vadd.s32 v9, v8  }
0xd9: {  	v6 =	vadd.s32 v6, v15;
	v9 =	vmul.u32 $0xFFFFFFCE, v14;
	v10 =	vmul.f32 v10, v0  }
0xda: {  	v8 =	vcvt.s32.f32 v8;
	v6 =	vcvt.s32.f32 v6;
	v7 =	vadd.s32 v7, v16  }
0xdb: {  	v13 =	vmul.f32 $1.990000000e+02, v13;
	v9 =	vadd.s32 v11, v9;
	v7 =	vcvt.s32.f32 v7  }
0xdc: {  	v2 =	vadd.f32 v4, v2;
	v8 =	vmul.f32 v8, v0;
	v4 =	vcvt.s32.f32 v9  }
0xdd: {  	v9 =	vcvt.s32.f32 v12;
	v6 =	vmul.f32 v6, v0  }
0xde: {  	v12 =	vmul.f32 v38, v0;
	v37 =	vtrunc.f32 v13  }
0xdf: {  	v7 =	vmul.f32 v7, v0;
	v11 =	vcvt.f32.s32 v37  }
0xe0: {  	v8 =	vmul.f32 $1.990000000e+02, v8;
	v4 =	vmul.f32 v4, v0  }
0xe1: {  	v44 =	vmul.f32 v9, v0;
	v6 =	vmul.f32 $1.990000000e+02, v6  }
0xe2: {  	v9 =	vmul.f32 $1.990000000e+02, v7;
	vm0 =	vlt.s32 v11, $0xC7;
	vm1 =	vlt.s32 v11, $0xC6  }
0xe3: {  	v39 =	vtrunc.f32 v8;
	v46 =	vtrunc.f32 v6;
	v15 =	vnsel vm0, $0xC7, v11  }
0xe4: {  	v11 =	vnsel vm1, $0xC6, v11;
	v14 =	vcvt.f32.s32 v39;
	v48 =	vtrunc.f32 v9  }
0xe5: {  	v40 =	vshll.u32 v15, $0x7;
	v11 =	vadd.s32 $0x1, v11;
	v17 =	vshll.u32 v15, $0x8  }
0xe6: {  	[tilespmem:s18+$0xFFFFFFF0] =	vst v5;
	v16 =	vand.u32 $0x380, v40;
	v18 =	vshll.u32 v11, $0x7;
	vm6 =	vlt.s32 v14, $0xC7  }
0xe7: {  	[tilespmem:s18+$0x0] =	vst v3;
	vm7 =	vlt.s32 v14, $0xC6;
	v5 =	vshll.u32 v11, $0x8;
	v3 =	vand.u32 $0xFFFFF800, v17  }
0xe8: {  	[tilespmem:s18+$0xFFFFFFE0] =	vst v2;
	v11 =	vnsel vm6, $0xC7, v14;
	v14 =	vnsel vm7, $0xC6, v14;
	v2 =	vand.u32 $0x380, v18  }
0xe9: {  	v5 =	vand.u32 $0xFFFFF800, v5;
	v14 =	vadd.s32 $0x1, v14;
	v41 =	vshll.u32 v11, $0x3  }
0xea: {  	v20 =	vand.u32 $0x7F, v11;
	v17 =	vand.u32 $0xFFFFFC00, v41;
	v42 =	vshll.u32 v14, $0x3  }
0xeb: {  	v14 =	vand.u32 $0x7F, v14;
	v19 =	vadd.s32 v3, v17;
	v18 =	vand.u32 $0xFFFFFC00, v42  }
0xec: {  	v43 =	vadd.s32 v5, v17;
	v17 =	vcvt.f32.s32 v48;
	v3 =	vadd.s32 v3, v18  }
0xed: {  	v19 =	vor.u32 v16, v19;
	v5 =	vadd.s32 v5, v18;
	v3 =	vor.u32 v16, v3  }
0xee: {  	[hbm4b:s5+s12] =	stream.strided.scatter [tilespmem:s14], [sflag:$0x3], $0xA00, s13, s12, $0x38;
	v16 =	vor.u32 v2, v43;
	v2 =	vor.u32 v2, v5;
	v5 =	vmul.f32 $1.990000000e+02, v4;
	[tilespmem:$0x19A00] =	vst v63  }
0xef: {  	_ =	swait.ge [sflag:s15], $0xA00;
	v19 =	vor.u32 v20, v19;
	v4 =	vmul.f32 $1.990000000e+02, v10;
	v10 =	vcvt.s32.f32 v11  }
0xf0: {  	[sflag:s15] =	ssyncset.done $0x0;
	vm9 =	vlt.s32 v17, $0xC6;
	vm12 =	vlt.s32 v17, $0xC7;
	v3 =	vor.u32 v14, v3  }
0xf1: {  	[sflag:s15] =	ssyncadd.s32 $0xFFFFF600;
	v16 =	vor.u32 v20, v16;
	v14 =	vor.u32 v14, v2;
	v2 =	vmul.f32 $1.990000000e+02, v44  }
0xf2: {  	[tilespmem:s31], [sflag:$0x1] =	stream.linear.gather [hbm4b:s6+s31], $0xC800, $0x38;
	v57 =	vnsel vm9, $0xC6, v17;
	v8 =	vsub.f32 v8, v10;
	v10 =	vcvt.s32.f32 v15;
	[tilespmem:$0x19A00] =	vst v63  }
0xf3: {  	_ =	swait.ge [sflag:s16], $0xC800;
	v17 =	vnsel vm12, $0xC7, v17;
	v47 =	vtrunc.f32 v5;
	v50 =	vtrunc.f32 v4  }
0xf4: {  	[sflag:s16] =	ssyncset.done $0x0;
	v28 =	vshll.u32 v17, $0x3;
	v63 =	vand.u32 $0x7F, v17;
	v17 =	vcvt.s32.f32 v17  }
0xf5: {  	[sflag:s16] =	ssyncadd.s32 $0xFFFF3800;
	v15 =	vcvt.f32.s32 v47;
	v53 =	vtrunc.f32 v2;
	v28 =	vand.u32 $0xFFFFFC00, v28  }
0xf6: {  	v13 =	vsub.f32 v13, v10;
	v10 =	vsub.f32 $1.000000000e+00, v8;
	v54 =	vcvt.f32.s32 v53;
	v7 =	vld.idx.msk [tilespmem:v19+s10+$0x0], $0xffff  }
0xf7: {  	v9 =	vsub.f32 v9, v17;
	vm2 =	vlt.s32 v15, $0xC6;
	vm11 =	vlt.s32 v15, $0xC7;
	v11 =	vld.idx.msk [tilespmem:v3+s10+$0x0], $0xffff  }
0xf8: {  	v19 =	vadd.s32 $0x1, v57;
	v3 =	vmul.f32 $1.990000000e+02, v12;
	v45 =	vld.idx.msk [tilespmem:v16+s10+$0x0], $0xffff;
	v16 =	vcvt.f32.s32 v46  }
0xf9: {  	v49 =	vsub.f32 $1.000000000e+00, v13;
	v56 =	vnsel vm2, $0xC6, v15;
	vm5 =	vlt.s32 v54, $0xC7  }
0xfa: {  	v15 =	vnsel vm11, $0xC7, v15;
	vm15 =	vlt.s32 v54, $0xC6;
	v25 =	vshll.u32 v19, $0x3  }
0xfb: {  	v19 =	vand.u32 $0x7F, v19;
	v22 =	vnsel vm5, $0xC7, v54;
	v26 =	vshll.u32 v15, $0x3  }
0xfc: {  	v12 =	vnsel vm15, $0xC6, v54;
	v25 =	vand.u32 $0xFFFFFC00, v25;
	v61 =	vand.u32 $0x7F, v15  }
0xfd: {  	v15 =	vcvt.s32.f32 v15;
	vm8 =	vlt.s32 v16, $0xC6;
	v52 =	vtrunc.f32 v3  }
0xfe: {  	vm10 =	vlt.s32 v16, $0xC7;
	v31 =	vshll.u32 v22, $0x8;
	v26 =	vand.u32 $0xFFFFFC00, v26  }
0xff: {  	v12 =	vadd.s32 $0x1, v12;
	v34 =	vshll.u32 v22, $0x7;
	v44 =	vcvt.s32.f32 v22  }
0x100: {  	v14 =	vld.idx.msk [tilespmem:v14+s10+$0x0], $0xffff;
	v55 =	vnsel vm8, $0xC6, v16;
	v18 =	vcvt.f32.s32 v52;
	v16 =	vnsel vm10, $0xC7, v16  }
0x101: {  	v31 =	vand.u32 $0xFFFFF800, v31;
	v34 =	vand.u32 $0x380, v34;
	v60 =	vshll.u32 v12, $0x8  }
0x102: {  	v12 =	vshll.u32 v12, $0x7;
	v5 =	vsub.f32 v5, v15;
	v7 =	vmul.f32 v7, v10  }
0x103: {  	v27 =	vshll.u32 v16, $0x3;
	v37 =	vadd.s32 v31, v25;
	v31 =	vadd.s32 v31, v28  }
0x104: {  	v62 =	vand.u32 $0x7F, v16;
	v16 =	vcvt.s32.f32 v16;
	v11 =	vmul.f32 v11, v8  }
0x105: {  	v12 =	vand.u32 $0x380, v12;
	v10 =	vmul.f32 v45, v10;
	v8 =	vmul.f32 v14, v8  }
0x106: {  	vm3 =	vlt.s32 v18, $0xC7;
	v14 =	vadd.s32 $0x1, v55;
	vm13 =	vlt.s32 v18, $0xC6  }
0x107: {  	v27 =	vand.u32 $0xFFFFFC00, v27;
	v37 =	vor.u32 v34, v37;
	v31 =	vor.u32 v34, v31  }
0x108: {  	v51 =	vmul.f32 v7, v49;
	v58 =	vnsel vm3, $0xC7, v18;
	v24 =	vshll.u32 v14, $0x3  }
0x109: {  	v18 =	vnsel vm13, $0xC6, v18;
	v14 =	vand.u32 $0x7F, v14;
	v37 =	vor.u32 v19, v37  }
0x10a: {  	v31 =	vor.u32 v63, v31;
	v6 =	vsub.f32 v6, v16;
	v11 =	vmul.f32 v11, v49  }
0x10b: {  	v7 =	vmul.f32 v10, v13;
	v8 =	vmul.f32 v8, v13;
	v13 =	vadd.s32 $0x1, v56  }
0x10c: {  	v29 =	vshll.u32 v58, $0x8;
	v24 =	vand.u32 $0xFFFFFC00, v24;
	v18 =	vadd.s32 $0x1, v18  }
0x10d: {  	v33 =	vshll.u32 v58, $0x7;
	v43 =	vcvt.s32.f32 v58;
	v49 =	vsub.f32 $1.000000000e+00, v9  }
0x10e: {  	v23 =	vshll.u32 v13, $0x3;
	v29 =	vand.u32 $0xFFFFF800, v29;
	v33 =	vand.u32 $0x380, v33  }
0x10f: {  	v59 =	vshll.u32 v18, $0x8;
	v13 =	vand.u32 $0x7F, v13;
	v18 =	vshll.u32 v18, $0x7  }
0x110: {  	v10 =	vadd.f32 v11, v51;
	v11 =	vcvt.f32.s32 v50;
	v23 =	vand.u32 $0xFFFFFC00, v23  }
0x111: {  	v18 =	vand.u32 $0x380, v18;
	v35 =	vadd.s32 v29, v23;
	v29 =	vadd.s32 v29, v26  }
0x112: {  	vm4 =	vlt.s32 v11, $0xC7;
	vm14 =	vlt.s32 v11, $0xC6;
	v35 =	vor.u32 v33, v35  }
0x113: {  	v29 =	vor.u32 v33, v29;
	v33 =	vand.u32 $0xFFFFF800, v59;
	v21 =	vnsel vm4, $0xC7, v11  }
0x114: {  	v11 =	vnsel vm14, $0xC6, v11;
	v26 =	vadd.s32 v33, v26;
	v29 =	vor.u32 v61, v29  }
0x115: {  	v35 =	vor.u32 v13, v35;
	v23 =	vadd.s32 v33, v23;
	v30 =	vshll.u32 v21, $0x8  }
0x116: {  	v11 =	vadd.s32 $0x1, v11;
	v32 =	vshll.u32 v21, $0x7;
	v26 =	vor.u32 v18, v26  }
0x117: {  	v21 =	vcvt.s32.f32 v21;
	v18 =	vor.u32 v18, v23;
	v30 =	vand.u32 $0xFFFFF800, v30  }
0x118: {  	v32 =	vand.u32 $0x380, v32;
	v38 =	vshll.u32 v11, $0x8;
	v36 =	vadd.s32 v30, v24  }
0x119: {  	v26 =	vor.u32 v61, v26;
	v30 =	vadd.s32 v30, v27;
	v36 =	vor.u32 v32, v36  }
0x11a: {  	v11 =	vshll.u32 v11, $0x7;
	v30 =	vor.u32 v32, v30;
	v36 =	vor.u32 v14, v36  }
0x11b: {  	v40 =	vld.idx.msk [tilespmem:v37+s10+$0x0], $0xffff;
	v13 =	vor.u32 v13, v18;
	v38 =	vand.u32 $0xFFFFF800, v38;
	v30 =	vor.u32 v62, v30  }
0x11c: {  	v45 =	vld.idx.msk [tilespmem:v31+s10+$0x0], $0xffff;
	v11 =	vand.u32 $0x380, v11;
	v32 =	vand.u32 $0xFFFFF800, v60;
	v27 =	vadd.s32 v38, v27  }
0x11d: {  	v21 =	vsub.f32 v4, v21;
	v28 =	vadd.s32 v32, v28;
	v27 =	vor.u32 v11, v27;
	v41 =	vld.idx.msk [tilespmem:v35+s10+$0x0], $0xffff  }
0x11e: {  	v4 =	vsub.f32 v3, v43;
	v46 =	vld.idx.msk [tilespmem:v29+s10+$0x0], $0xffff;
	v27 =	vor.u32 v62, v27;
	v28 =	vor.u32 v12, v28  }
0x11f: {  	v3 =	vsub.f32 v2, v44;
	v24 =	vadd.s32 v38, v24;
	v28 =	vor.u32 v63, v28;
	v39 =	vld.idx.msk [tilespmem:v36+s10+$0x0], $0xffff  }
0x120: {  	v52 =	vmul.f32 v40, v9;
	v25 =	vadd.s32 v32, v25;
	v11 =	vor.u32 v11, v24;
	v42 =	vld.idx.msk [tilespmem:v30+s10+$0x0], $0xffff  }
0x121: {  	v57 =	vsub.f32 $1.000000000e+00, v3;
	v12 =	vor.u32 v12, v25;
	v11 =	vor.u32 v14, v11  }
0x122: {  	v51 =	vsub.f32 $1.000000000e+00, v5;
	v12 =	vor.u32 v19, v12;
	v55 =	vld.idx.msk [tilespmem:v26+s10+$0x0], $0xffff  }
0x123: {  	v47 =	vsub.f32 $1.000000000e+00, v6;
	v22 =	vmul.f32 v45, v49;
	v59 =	vmul.f32 v52, v57;
	v50 =	vld.idx.msk [tilespmem:v27+s10+$0x0], $0xffff  }
0x124: {  	v56 =	vsub.f32 $1.000000000e+00, v4;
	v16 =	vmul.f32 v41, v5;
	v18 =	vmul.f32 v46, v51;
	v53 =	vld.idx.msk [tilespmem:v28+s10+$0x0], $0xffff  }
0x125: {  	v54 =	vsub.f32 $1.000000000e+00, v21;
	v13 =	vld.idx.msk [tilespmem:v13+s10+$0x0], $0xffff;
	v48 =	vmul.f32 v39, v6;
	v2 =	vmul.f32 v42, v47  }
0x126: {  	v7 =	vadd.f32 v7, v10;
	v11 =	vld.idx.msk [tilespmem:v11+s10+$0x0], $0xffff;
	v58 =	vmul.f32 v16, v56;
	v18 =	vmul.f32 v18, v56  }
0x127: {  	v12 =	vld.idx.msk [tilespmem:v12+s10+$0x0], $0xffff;
	v2 =	vmul.f32 v2, v54;
	v10 =	vmul.f32 v48, v54  }
0x128: {  	v7 =	vadd.f32 v8, v7;
	v61 =	vmul.f32 v55, v51;
	v8 =	vmul.f32 v50, v47  }
0x129: {  	v60 =	vmul.f32 v53, v49;
	v2 =	vadd.f32 v10, v2;
	v10 =	vmul.f32 v22, v57  }
0x12a: {  	v15 =	vadd.f32 v58, v18;
	v63 =	vmul.f32 v61, v4;
	v62 =	vmul.f32 v8, v21  }
0x12b: {  	v6 =	vmul.f32 v11, v6;
	v14 =	vmul.f32 v60, v3;
	v10 =	vadd.f32 v59, v10  }
0x12c: {  	s18 =	simm.s32 $0x19020;
	v9 =	vmul.f32 v12, v9;
	v8 =	vmul.f32 v13, v5;
	v5 =	vadd.f32 v62, v2  }
0x12d: {  	s19 =	simm.s32 $0x0;
	s20 =	simm.s32 $0x40;
	[tilespmem:s18+$0x10] =	vst v7;
	v6 =	vmul.f32 v6, v21;
	v2 =	vadd.f32 v63, v15;
	v7 =	vadd.f32 v14, v10  }
.LBB2_4:
0x12e: {  	v10 =	vor.u32 s20, v1;
	s21 =	sadd.s32 $0x10, s20;
	s22 =	sadd.s32 $0x20, s20;
	s23 =	sadd.s32 $0x30, s20;
	v4 =	vmul.f32 v8, v4;
	v3 =	vmul.f32 v9, v3  }
0x12f: {  	s19 =	sadd.s32 $0x4, s19;
	v8 =	vor.u32 s21, v1;
	v9 =	vor.u32 s22, v1;
	v11 =	vor.u32 s23, v1  }
0x130: {  	p0 =	slt.u32 s19, $0x9C;
	v12 =	vmul.u32 $0x51F, v8;
	v13 =	vmul.u32 $0x51F, v9;
	v14 =	vmul.u32 $0x51F, v11  }
0x131: {  	v15 =	vmul.u32 $0x51F, v10;
	v5 =	vadd.f32 v6, v5;
	v3 =	vadd.f32 v3, v7  }
0x132: {  	v6 =	vshrl.u32 v12, $0x10;
	v7 =	vshrl.u32 v13, $0x10;
	v12 =	vshrl.u32 v14, $0x10  }
0x133: {  	v13 =	vshrl.u32 v15, $0x10;
	v14 =	vmul.u32 $0xFFFFFFCE, v6;
	v15 =	vcvt.s32.f32 v12;
	[tilespmem:s18+$0xFFFFFFF0] =	vst v5  }
0x134: {  	v5 =	vmul.u32 $0xFFFFFFCE, v13;
	v16 =	vmul.u32 $0xFFFFFFCE, v7;
	v12 =	vmul.u32 $0xFFFFFFCE, v12;
	[tilespmem:s18+$0x0] =	vst v3  }
0x135: {  	v6 =	vcvt.s32.f32 v6;
	v3 =	vadd.s32 v8, v14;
	v8 =	vmul.f32 v15, v0  }
0x136: {  	v5 =	vadd.s32 v10, v5;
	v9 =	vadd.s32 v9, v16;
	v10 =	vadd.s32 v11, v12  }
0x137: {  	v2 =	vadd.f32 v4, v2;
	v10 =	vcvt.s32.f32 v10;
	v8 =	vmul.f32 $1.990000000e+02, v8  }
0x138: {  	v3 =	vcvt.s32.f32 v3;
	v4 =	vcvt.s32.f32 v9  }
0x139: {  	v9 =	vmul.f32 v10, v0;
	v10 =	vtrunc.f32 v8;
	[tilespmem:s18+$0xFFFFFFE0] =	vst v2  }
0x13a: {  	v2 =	vcvt.s32.f32 v5;
	v5 =	vcvt.f32.s32 v10  }
0x13b: {  	v7 =	vcvt.s32.f32 v7;
	v9 =	vmul.f32 $1.990000000e+02, v9  }
0x13c: {  	v10 =	vcvt.s32.f32 v13;
	vm0 =	vlt.s32 v5, $0xC7;
	vm1 =	vlt.s32 v5, $0xC6  }
0x13d: {  	v11 =	vtrunc.f32 v9;
	v12 =	vnsel vm0, $0xC7, v5;
	v5 =	vnsel vm1, $0xC6, v5  }
0x13e: {  	v11 =	vcvt.f32.s32 v11;
	v5 =	vadd.s32 $0x1, v5;
	v13 =	vshll.u32 v12, $0x7  }
0x13f: {  	v14 =	vshll.u32 v12, $0x8;
	v13 =	vand.u32 $0x380, v13;
	v15 =	vshll.u32 v5, $0x7  }
0x140: {  	vm0 =	vlt.s32 v11, $0xC7;
	vm1 =	vlt.s32 v11, $0xC6;
	v5 =	vshll.u32 v5, $0x8  }
0x141: {  	v14 =	vand.u32 $0xFFFFF800, v14;
	v16 =	vnsel vm0, $0xC7, v11;
	v11 =	vnsel vm1, $0xC6, v11  }
0x142: {  	v15 =	vand.u32 $0x380, v15;
	v11 =	vadd.s32 $0x1, v11;
	v17 =	vshll.u32 v16, $0x3  }
0x143: {  	v5 =	vand.u32 $0xFFFFF800, v5;
	v17 =	vand.u32 $0xFFFFFC00, v17;
	v18 =	vshll.u32 v11, $0x3  }
0x144: {  	v19 =	vand.u32 $0x7F, v16;
	v20 =	vadd.s32 v14, v17;
	v18 =	vand.u32 $0xFFFFFC00, v18  }
0x145: {  	v11 =	vand.u32 $0x7F, v11;
	v20 =	vor.u32 v13, v20;
	v14 =	vadd.s32 v14, v18  }
0x146: {  	v20 =	vor.u32 v19, v20;
	v13 =	vor.u32 v13, v14;
	v14 =	vadd.s32 v5, v17  }
0x147: {  	v3 =	vmul.f32 v3, v0;
	v13 =	vor.u32 v11, v13;
	v14 =	vor.u32 v15, v14  }
0x148: {  	v4 =	vmul.f32 v4, v0;
	v2 =	vmul.f32 v2, v0;
	v14 =	vor.u32 v19, v14  }
0x149: {  	v17 =	vmul.f32 v6, v0;
	v5 =	vadd.s32 v5, v18;
	v19 =	vmul.f32 v7, v0  }
0x14a: {  	v10 =	vmul.f32 v10, v0;
	v6 =	vmul.f32 $1.990000000e+02, v3;
	v3 =	vor.u32 v15, v5  }
0x14b: {  	v5 =	vmul.f32 $1.990000000e+02, v2;
	v7 =	vmul.f32 $1.990000000e+02, v4;
	v11 =	vor.u32 v11, v3;
	v15 =	vld.idx.msk [tilespmem:v20+s10+$0x0], $0xffff  }
0x14c: {  	v16 =	vcvt.s32.f32 v16;
	v2 =	vmul.f32 $1.990000000e+02, v17;
	v13 =	vld.idx.msk [tilespmem:v13+s10+$0x0], $0xffff  }
0x14d: {  	v4 =	vmul.f32 $1.990000000e+02, v10;
	v3 =	vmul.f32 $1.990000000e+02, v19;
	v10 =	vld.idx.msk [tilespmem:v14+s10+$0x0], $0xffff  }
0x14e: {  	v12 =	vcvt.s32.f32 v12;
	v9 =	vsub.f32 v9, v16;
	v14 =	vtrunc.f32 v6  }
0x14f: {  	v16 =	vtrunc.f32 v5;
	v17 =	vtrunc.f32 v7  }
0x150: {  	v8 =	vsub.f32 v8, v12;
	v12 =	vsub.f32 $1.000000000e+00, v9;
	v14 =	vcvt.f32.s32 v14;
	v11 =	vld.idx.msk [tilespmem:v11+s10+$0x0], $0xffff  }
0x151: {  	v16 =	vcvt.f32.s32 v16;
	v17 =	vcvt.f32.s32 v17  }
0x152: {  	v18 =	vsub.f32 $1.000000000e+00, v8;
	v15 =	vmul.f32 v15, v12;
	v13 =	vmul.f32 v13, v9  }
0x153: {  	v19 =	vtrunc.f32 v2;
	vm0 =	vlt.s32 v14, $0xC6;
	v10 =	vmul.f32 v10, v12  }
0x154: {  	vm1 =	vlt.s32 v17, $0xC6;
	v12 =	vmul.f32 v15, v18;
	v13 =	vmul.f32 v13, v18  }
0x155: {  	vm2 =	vlt.s32 v16, $0xC6;
	v15 =	vtrunc.f32 v4;
	v18 =	vtrunc.f32 v3  }
0x156: {  	v10 =	vmul.f32 v10, v8;
	v12 =	vadd.f32 v13, v12;
	v9 =	vmul.f32 v11, v9  }
0x157: {  	v18 =	vcvt.f32.s32 v18;
	v11 =	vcvt.f32.s32 v19;
	v13 =	vnsel vm0, $0xC6, v14  }
0x158: {  	v15 =	vcvt.f32.s32 v15;
	v10 =	vadd.f32 v10, v12;
	v8 =	vmul.f32 v9, v8  }
0x159: {  	vm0 =	vlt.s32 v14, $0xC7;
	v9 =	vnsel vm2, $0xC6, v16;
	v12 =	vnsel vm1, $0xC6, v17  }
0x15a: {  	vm1 =	vlt.s32 v16, $0xC7;
	vm2 =	vlt.s32 v17, $0xC7;
	v8 =	vadd.f32 v8, v10  }
0x15b: {  	s18 =	sadd.s32 $0x40, s18;
	vm3 =	vlt.s32 v15, $0xC7;
	vm5 =	vlt.s32 v18, $0xC7;
	vm4 =	vlt.s32 v11, $0xC7  }
0x15c: {  	v9 =	vadd.s32 $0x1, v9;
	v12 =	vadd.s32 $0x1, v12;
	v10 =	vadd.s32 $0x1, v13;
	[tilespmem:s18+$0x10] =	vst v8  }
0x15d: {  	v13 =	vnsel vm0, $0xC7, v14;
	v14 =	vnsel vm2, $0xC7, v17;
	v8 =	vnsel vm1, $0xC7, v16  }
0x15e: {  	v19 =	vnsel vm5, $0xC7, v18;
	v17 =	vnsel vm4, $0xC7, v11;
	v16 =	vnsel vm3, $0xC7, v15  }
0x15f: {  	vm0 =	vlt.s32 v15, $0xC6;
	vm2 =	vlt.s32 v18, $0xC6;
	vm1 =	vlt.s32 v11, $0xC6  }
0x160: {  	v20 =	vshll.u32 v9, $0x3;
	v22 =	vshll.u32 v12, $0x3;
	v21 =	vshll.u32 v10, $0x3  }
0x161: {  	v24 =	vshll.u32 v13, $0x3;
	v25 =	vshll.u32 v14, $0x3;
	v23 =	vshll.u32 v8, $0x3  }
0x162: {  	v28 =	vshll.u32 v19, $0x8;
	v27 =	vshll.u32 v17, $0x8;
	v26 =	vshll.u32 v16, $0x8  }
0x163: {  	v18 =	vnsel vm2, $0xC6, v18;
	v15 =	vnsel vm0, $0xC6, v15;
	v11 =	vnsel vm1, $0xC6, v11  }
0x164: {  	v20 =	vand.u32 $0xFFFFFC00, v20;
	v22 =	vand.u32 $0xFFFFFC00, v22;
	v21 =	vand.u32 $0xFFFFFC00, v21  }
0x165: {  	v24 =	vand.u32 $0xFFFFFC00, v24;
	v25 =	vand.u32 $0xFFFFFC00, v25;
	v23 =	vand.u32 $0xFFFFFC00, v23  }
0x166: {  	v28 =	vand.u32 $0xFFFFF800, v28;
	v27 =	vand.u32 $0xFFFFF800, v27;
	v26 =	vand.u32 $0xFFFFF800, v26  }
0x167: {  	v29 =	vshll.u32 v17, $0x7;
	v18 =	vadd.s32 $0x1, v18;
	v11 =	vadd.s32 $0x1, v11  }
0x168: {  	v31 =	vshll.u32 v19, $0x7;
	v15 =	vadd.s32 $0x1, v15;
	v30 =	vshll.u32 v16, $0x7  }
0x169: {  	v34 =	vadd.s32 v28, v22;
	v33 =	vadd.s32 v27, v21;
	v32 =	vadd.s32 v26, v20  }
0x16a: {  	v27 =	vadd.s32 v27, v24;
	v28 =	vadd.s32 v28, v25;
	v26 =	vadd.s32 v26, v23  }
0x16b: {  	v31 =	vand.u32 $0x380, v31;
	v29 =	vand.u32 $0x380, v29;
	v35 =	vshll.u32 v11, $0x8  }
0x16c: {  	v37 =	vshll.u32 v18, $0x8;
	v30 =	vand.u32 $0x380, v30;
	v36 =	vshll.u32 v15, $0x8  }
0x16d: {  	v34 =	vor.u32 v31, v34;
	v33 =	vor.u32 v29, v33;
	v32 =	vor.u32 v30, v32  }
0x16e: {  	v27 =	vor.u32 v29, v27;
	v28 =	vor.u32 v31, v28;
	v26 =	vor.u32 v30, v26  }
0x16f: {  	v9 =	vand.u32 $0x7F, v9;
	v12 =	vand.u32 $0x7F, v12;
	v10 =	vand.u32 $0x7F, v10  }
0x170: {  	v29 =	vand.u32 $0x7F, v8;
	v31 =	vand.u32 $0x7F, v14;
	v30 =	vand.u32 $0x7F, v13  }
0x171: {  	v37 =	vand.u32 $0xFFFFF800, v37;
	v36 =	vand.u32 $0xFFFFF800, v36;
	v35 =	vand.u32 $0xFFFFF800, v35  }
0x172: {  	v18 =	vshll.u32 v18, $0x7;
	v15 =	vshll.u32 v15, $0x7;
	v11 =	vshll.u32 v11, $0x7  }
0x173: {  	v34 =	vor.u32 v12, v34;
	v33 =	vor.u32 v10, v33;
	v32 =	vor.u32 v9, v32  }
0x174: {  	v28 =	vor.u32 v31, v28;
	v26 =	vor.u32 v29, v26;
	v27 =	vor.u32 v30, v27  }
0x175: {  	v25 =	vadd.s32 v37, v25;
	v23 =	vadd.s32 v36, v23;
	v24 =	vadd.s32 v35, v24  }
0x176: {  	v18 =	vand.u32 $0x380, v18;
	v15 =	vand.u32 $0x380, v15;
	v11 =	vand.u32 $0x380, v11  }
0x177: {  	v14 =	vcvt.s32.f32 v14;
	v13 =	vcvt.s32.f32 v13;
	v24 =	vor.u32 v11, v24  }
0x178: {  	v8 =	vcvt.s32.f32 v8;
	v25 =	vor.u32 v18, v25;
	v23 =	vor.u32 v15, v23;
	v33 =	vld.idx.msk [tilespmem:v33+s10+$0x0], $0xffff  }
0x179: {  	v25 =	vor.u32 v31, v25;
	v23 =	vor.u32 v29, v23;
	v24 =	vor.u32 v30, v24;
	v29 =	vld.idx.msk [tilespmem:v34+s10+$0x0], $0xffff  }
0x17a: {  	v22 =	vadd.s32 v37, v22;
	v20 =	vadd.s32 v36, v20;
	v21 =	vadd.s32 v35, v21;
	v30 =	vld.idx.msk [tilespmem:v32+s10+$0x0], $0xffff  }
0x17b: {  	v7 =	vsub.f32 v7, v14;
	v6 =	vsub.f32 v6, v13;
	v13 =	vcvt.s32.f32 v17;
	v17 =	vld.idx.msk [tilespmem:v27+s10+$0x0], $0xffff  }
0x17c: {  	v5 =	vsub.f32 v5, v8;
	v8 =	vcvt.s32.f32 v16;
	v14 =	vcvt.s32.f32 v19;
	v16 =	vld.idx.msk [tilespmem:v28+s10+$0x0], $0xffff  }
0x17d: {  	v18 =	vor.u32 v18, v22;
	v15 =	vor.u32 v15, v20;
	v11 =	vor.u32 v11, v21;
	v19 =	vld.idx.msk [tilespmem:v26+s10+$0x0], $0xffff  }
0x17e: {  	v9 =	vor.u32 v9, v15;
	v10 =	vor.u32 v10, v11;
	v11 =	vor.u32 v12, v18;
	v15 =	vld.idx.msk [tilespmem:v24+s10+$0x0], $0xffff  }
0x17f: {  	v21 =	vsub.f32 $1.000000000e+00, v7;
	v12 =	vsub.f32 $1.000000000e+00, v6;
	v18 =	vmul.f32 v33, v6;
	v20 =	vld.idx.msk [tilespmem:v25+s10+$0x0], $0xffff  }
0x180: {  	v13 =	vsub.f32 v2, v13;
	v2 =	vmul.f32 v29, v7;
	v22 =	vld.idx.msk [tilespmem:v23+s10+$0x0], $0xffff;
	v23 =	vsub.f32 $1.000000000e+00, v5  }
0x181: {  	v4 =	vsub.f32 v4, v8;
	v3 =	vsub.f32 v3, v14;
	v8 =	vmul.f32 v30, v5  }
0x182: {  	v14 =	vmul.f32 v17, v12;
	v17 =	vsub.f32 $1.000000000e+00, v13;
	v16 =	vmul.f32 v16, v21  }
0x183: {  	v24 =	vsub.f32 $1.000000000e+00, v4;
	v25 =	vsub.f32 $1.000000000e+00, v3;
	v19 =	vmul.f32 v19, v23;
	v10 =	vld.idx.msk [tilespmem:v10+s10+$0x0], $0xffff  }
0x184: {  	v14 =	vmul.f32 v14, v17;
	v17 =	vmul.f32 v18, v17;
	v11 =	vld.idx.msk [tilespmem:v11+s10+$0x0], $0xffff  }
0x185: {  	v8 =	vmul.f32 v8, v24;
	v2 =	vmul.f32 v2, v25;
	v9 =	vld.idx.msk [tilespmem:v9+s10+$0x0], $0xffff  }
0x186: {  	v16 =	vmul.f32 v16, v25;
	v18 =	vmul.f32 v19, v24;
	v14 =	vadd.f32 v17, v14  }
0x187: {  	v12 =	vmul.f32 v15, v12;
	v15 =	vmul.f32 v20, v21  }
.Ltmp1:
0x188: {  	v16 =	vadd.f32 v2, v16;
	v17 =	vadd.f32 v8, v18;
	v8 =	vmul.f32 v22, v23;
	(pc) =	sbr.rel @p0 .LBB2_4-.Ltmp1, $4  }
0x189: {  	v2 =	vmul.f32 v12, v13;
	v12 =	vmul.f32 v15, v3  }
0x18a: {  	v15 =	vmul.f32 v8, v4;
	v6 =	vmul.f32 v10, v6  }
0x18b: {  	v8 =	vmul.f32 v9, v5;
	v5 =	vadd.f32 v2, v14;
	v9 =	vmul.f32 v11, v7  }
0x18c: {  	s20 =	sadd.s32 $0x40, s20;
	v2 =	vadd.f32 v15, v17;
	v6 =	vmul.f32 v6, v13;
	v7 =	vadd.f32 v12, v16  }
0x18d: {  	s19 =	simm.s32 $0x30;
	v3 =	vmul.f32 v9, v3;
	v4 =	vmul.f32 v8, v4;
	s30 =	simm.s32 $0x10  }
0x18e: {  	s31 =	simm.s32 $0x0;
	v9 =	vor.u32 s19, v1;
	v5 =	vadd.f32 v6, v5;
	v6 =	vor.u32 s30, v1  }
0x18f: {  	s20 =	simm.s32 $0x20;
	v11 =	vor.u32 s31, v1;
	v8 =	vmul.u32 $0x51F, v9;
	v3 =	vadd.f32 v3, v7  }
0x190: {  	v7 =	vor.u32 s20, v1;
	v10 =	vmul.u32 $0x51F, v6;
	v14 =	vmul.u32 $0x51F, v11  }
0x191: {  	v12 =	vmul.u32 $0x51F, v7;
	v8 =	vshrl.u32 v8, $0x10  }
0x192: {  	v10 =	vshrl.u32 v10, $0x10;
	v14 =	vshrl.u32 v14, $0x10;
	v13 =	vcvt.s32.f32 v8  }
0x193: {  	v8 =	vmul.u32 $0xFFFFFFCE, v8;
	v12 =	vshrl.u32 v12, $0x10;
	v15 =	vmul.u32 $0xFFFFFFCE, v10  }
0x194: {  	v10 =	vcvt.s32.f32 v10;
	v38 =	vcvt.s32.f32 v14;
	v16 =	vmul.u32 $0xFFFFFFCE, v12  }
0x195: {  	v13 =	vmul.f32 v13, v0;
	v8 =	vadd.s32 v9, v8;
	v6 =	vadd.s32 v6, v15  }
0x196: {  	v9 =	vmul.u32 $0xFFFFFFCE, v14;
	v10 =	vmul.f32 v10, v0;
	v8 =	vcvt.s32.f32 v8  }
0x197: {  	v6 =	vcvt.s32.f32 v6;
	v7 =	vadd.s32 v7, v16;
	v13 =	vmul.f32 $1.990000000e+02, v13  }
0x198: {  	v9 =	vadd.s32 v11, v9;
	v7 =	vcvt.s32.f32 v7;
	v8 =	vmul.f32 v8, v0  }
0x199: {  	v2 =	vadd.f32 v4, v2;
	v4 =	vcvt.s32.f32 v9;
	v9 =	vcvt.s32.f32 v12  }
0x19a: {  	v6 =	vmul.f32 v6, v0;
	v12 =	vmul.f32 v38, v0  }
0x19b: {  	v37 =	vtrunc.f32 v13;
	v7 =	vmul.f32 v7, v0  }
0x19c: {  	v11 =	vcvt.f32.s32 v37;
	v8 =	vmul.f32 $1.990000000e+02, v8  }
0x19d: {  	v4 =	vmul.f32 v4, v0;
	v6 =	vmul.f32 $1.990000000e+02, v6  }
0x19e: {  	v45 =	vmul.f32 v9, v0;
	v9 =	vmul.f32 $1.990000000e+02, v7;
	vm0 =	vlt.s32 v11, $0xC7  }
0x19f: {  	vm1 =	vlt.s32 v11, $0xC6;
	v39 =	vtrunc.f32 v8;
	v48 =	vtrunc.f32 v6  }
0x1a0: {  	v15 =	vnsel vm0, $0xC7, v11;
	v11 =	vnsel vm1, $0xC6, v11;
	v14 =	vcvt.f32.s32 v39  }
0x1a1: {  	v50 =	vtrunc.f32 v9;
	v40 =	vshll.u32 v15, $0x7;
	v11 =	vadd.s32 $0x1, v11  }
0x1a2: {  	v17 =	vshll.u32 v15, $0x8;
	v16 =	vand.u32 $0x380, v40;
	v18 =	vshll.u32 v11, $0x7  }
0x1a3: {  	[tilespmem:s18+$0xFFFFFFF0] =	vst v5;
	vm6 =	vlt.s32 v14, $0xC7;
	vm7 =	vlt.s32 v14, $0xC6;
	v11 =	vshll.u32 v11, $0x8  }
0x1a4: {  	[tilespmem:s18+$0x0] =	vst v3;
	v5 =	vand.u32 $0xFFFFF800, v17;
	v19 =	vnsel vm6, $0xC7, v14;
	v14 =	vnsel vm7, $0xC6, v14  }
0x1a5: {  	[tilespmem:s18+$0xFFFFFFE0] =	vst v2;
	v3 =	vand.u32 $0x380, v18;
	v2 =	vand.u32 $0xFFFFF800, v11;
	v41 =	vshll.u32 v19, $0x3  }
0x1a6: {  	v14 =	vadd.s32 $0x1, v14;
	v20 =	vand.u32 $0x7F, v19;
	v17 =	vand.u32 $0xFFFFFC00, v41  }
0x1a7: {  	v42 =	vshll.u32 v14, $0x3;
	v14 =	vand.u32 $0x7F, v14;
	v11 =	vadd.s32 v5, v17  }
0x1a8: {  	v18 =	vand.u32 $0xFFFFFC00, v42;
	v43 =	vadd.s32 v2, v17;
	v17 =	vcvt.f32.s32 v50  }
0x1a9: {  	v11 =	vor.u32 v16, v11;
	v5 =	vadd.s32 v5, v18;
	v2 =	vadd.s32 v2, v18  }
0x1aa: {  	v11 =	vor.u32 v20, v11;
	v5 =	vor.u32 v16, v5;
	v2 =	vor.u32 v3, v2  }
0x1ab: {  	vm9 =	vlt.s32 v17, $0xC6;
	vm12 =	vlt.s32 v17, $0xC7;
	v44 =	vor.u32 v14, v5  }
0x1ac: {  	[hbm4b:s7+s12] =	stream.strided.scatter [tilespmem:s14], [sflag:$0x3], $0xA00, s13, s12, $0x38;
	v5 =	vor.u32 v3, v43;
	v3 =	vmul.f32 $1.990000000e+02, v12;
	v58 =	vnsel vm9, $0xC6, v17;
	[tilespmem:$0x19A00] =	vst v63  }
0x1ad: {  	_ =	swait.ge [sflag:s15], $0xA00;
	v17 =	vnsel vm12, $0xC7, v17;
	v16 =	vor.u32 v20, v5;
	v5 =	vmul.f32 $1.990000000e+02, v4  }
0x1ae: {  	[sflag:s15] =	ssyncset.done $0x0;
	v4 =	vmul.f32 $1.990000000e+02, v10;
	v10 =	vcvt.s32.f32 v19;
	v19 =	vadd.s32 $0x1, v58  }
0x1af: {  	[sflag:s15] =	ssyncadd.s32 $0xFFFFF600;
	v28 =	vshll.u32 v17, $0x3;
	v40 =	vand.u32 $0x7F, v17;
	v17 =	vcvt.s32.f32 v17  }
0x1b0: {  	_ =	swait.ge [sflag:s11], $0xC800;
	v54 =	vtrunc.f32 v3;
	v25 =	vshll.u32 v19, $0x3;
	v28 =	vand.u32 $0xFFFFFC00, v28  }
0x1b1: {  	[sflag:s11] =	ssyncset.done $0x0;
	v8 =	vsub.f32 v8, v10;
	v10 =	vcvt.s32.f32 v15;
	v49 =	vtrunc.f32 v5  }
0x1b2: {  	[sflag:s11] =	ssyncadd.s32 $0xFFFF3800;
	v19 =	vand.u32 $0x7F, v19;
	v52 =	vtrunc.f32 v4;
	v18 =	vcvt.f32.s32 v54  }
0x1b3: {  	v25 =	vand.u32 $0xFFFFFC00, v25;
	v9 =	vsub.f32 v9, v17;
	v7 =	vld.idx.msk [tilespmem:v11+s2+$0x0], $0xffff;
	v11 =	vor.u32 v14, v2  }
0x1b4: {  	v2 =	vmul.f32 $1.990000000e+02, v45;
	v15 =	vcvt.f32.s32 v49;
	v13 =	vsub.f32 v13, v10  }
0x1b5: {  	v10 =	vsub.f32 $1.000000000e+00, v8;
	vm3 =	vlt.s32 v18, $0xC7;
	vm13 =	vlt.s32 v18, $0xC6  }
0x1b6: {  	v47 =	vld.idx.msk [tilespmem:v16+s2+$0x0], $0xffff;
	v16 =	vcvt.f32.s32 v48;
	v20 =	vtrunc.f32 v2;
	vm2 =	vlt.s32 v15, $0xC6  }
0x1b7: {  	vm11 =	vlt.s32 v15, $0xC7;
	v59 =	vnsel vm3, $0xC7, v18;
	v18 =	vnsel vm13, $0xC6, v18  }
0x1b8: {  	v51 =	vsub.f32 $1.000000000e+00, v13;
	v55 =	vcvt.f32.s32 v20;
	v57 =	vnsel vm2, $0xC6, v15  }
0x1b9: {  	v15 =	vnsel vm11, $0xC7, v15;
	v29 =	vshll.u32 v59, $0x8;
	v18 =	vadd.s32 $0x1, v18  }
0x1ba: {  	v33 =	vshll.u32 v59, $0x7;
	v45 =	vcvt.s32.f32 v59;
	vm8 =	vlt.s32 v16, $0xC6  }
0x1bb: {  	v46 =	vld.idx.msk [tilespmem:v44+s2+$0x0], $0xffff;
	vm10 =	vlt.s32 v16, $0xC7;
	v26 =	vshll.u32 v15, $0x3;
	v29 =	vand.u32 $0xFFFFF800, v29  }
0x1bc: {  	v33 =	vand.u32 $0x380, v33;
	v60 =	vshll.u32 v18, $0x8;
	v18 =	vshll.u32 v18, $0x7  }
0x1bd: {  	v62 =	vand.u32 $0x7F, v15;
	v15 =	vcvt.s32.f32 v15;
	v7 =	vmul.f32 v7, v10  }
0x1be: {  	v56 =	vnsel vm8, $0xC6, v16;
	vm5 =	vlt.s32 v55, $0xC7;
	v16 =	vnsel vm10, $0xC7, v16  }
0x1bf: {  	vm15 =	vlt.s32 v55, $0xC6;
	v26 =	vand.u32 $0xFFFFFC00, v26;
	v18 =	vand.u32 $0x380, v18  }
0x1c0: {  	v14 =	vmul.f32 v46, v8;
	v22 =	vnsel vm5, $0xC7, v55;
	v27 =	vshll.u32 v16, $0x3  }
0x1c1: {  	v12 =	vnsel vm15, $0xC6, v55;
	v63 =	vand.u32 $0x7F, v16;
	v16 =	vcvt.s32.f32 v16  }
0x1c2: {  	v5 =	vsub.f32 v5, v15;
	v10 =	vmul.f32 v47, v10;
	v53 =	vmul.f32 v7, v51  }
0x1c3: {  	v11 =	vld.idx.msk [tilespmem:v11+s2+$0x0], $0xffff;
	v31 =	vshll.u32 v22, $0x8;
	v27 =	vand.u32 $0xFFFFFC00, v27;
	v12 =	vadd.s32 $0x1, v12  }
0x1c4: {  	v34 =	vshll.u32 v22, $0x7;
	v46 =	vcvt.s32.f32 v22;
	v14 =	vmul.f32 v14, v51  }
0x1c5: {  	v31 =	vand.u32 $0xFFFFF800, v31;
	v34 =	vand.u32 $0x380, v34;
	v61 =	vshll.u32 v12, $0x8  }
0x1c6: {  	v12 =	vshll.u32 v12, $0x7;
	v6 =	vsub.f32 v6, v16;
	v51 =	vsub.f32 $1.000000000e+00, v9  }
0x1c7: {  	v7 =	vmul.f32 v10, v13;
	v37 =	vadd.s32 v31, v25;
	v31 =	vadd.s32 v31, v28  }
0x1c8: {  	v12 =	vand.u32 $0x380, v12;
	v2 =	vsub.f32 v2, v46;
	v8 =	vmul.f32 v11, v8  }
0x1c9: {  	v10 =	vadd.f32 v14, v53;
	v11 =	vcvt.f32.s32 v52;
	v14 =	vadd.s32 $0x1, v56  }
0x1ca: {  	v37 =	vor.u32 v34, v37;
	v31 =	vor.u32 v34, v31;
	v24 =	vshll.u32 v14, $0x3  }
0x1cb: {  	v14 =	vand.u32 $0x7F, v14;
	v37 =	vor.u32 v19, v37;
	v31 =	vor.u32 v40, v31  }
0x1cc: {  	v58 =	vsub.f32 $1.000000000e+00, v2;
	v8 =	vmul.f32 v8, v13;
	vm4 =	vlt.s32 v11, $0xC7  }
0x1cd: {  	v13 =	vadd.s32 $0x1, v57;
	vm14 =	vlt.s32 v11, $0xC6;
	v24 =	vand.u32 $0xFFFFFC00, v24  }
0x1ce: {  	v21 =	vnsel vm4, $0xC7, v11;
	v23 =	vshll.u32 v13, $0x3;
	v11 =	vnsel vm14, $0xC6, v11  }
0x1cf: {  	v13 =	vand.u32 $0x7F, v13;
	v30 =	vshll.u32 v21, $0x8;
	v23 =	vand.u32 $0xFFFFFC00, v23  }
0x1d0: {  	v11 =	vadd.s32 $0x1, v11;
	v32 =	vshll.u32 v21, $0x7;
	v21 =	vcvt.s32.f32 v21  }
0x1d1: {  	v30 =	vand.u32 $0xFFFFF800, v30;
	v35 =	vadd.s32 v29, v23;
	v29 =	vadd.s32 v29, v26  }
0x1d2: {  	v32 =	vand.u32 $0x380, v32;
	v38 =	vshll.u32 v11, $0x8;
	v11 =	vshll.u32 v11, $0x7  }
0x1d3: {  	v36 =	vadd.s32 v30, v24;
	v30 =	vadd.s32 v30, v27;
	v35 =	vor.u32 v33, v35  }
0x1d4: {  	v29 =	vor.u32 v33, v29;
	v33 =	vand.u32 $0xFFFFF800, v60;
	v38 =	vand.u32 $0xFFFFF800, v38  }
0x1d5: {  	v11 =	vand.u32 $0x380, v11;
	v21 =	vsub.f32 v4, v21;
	v35 =	vor.u32 v13, v35  }
0x1d6: {  	v36 =	vor.u32 v32, v36;
	v30 =	vor.u32 v32, v30;
	v29 =	vor.u32 v62, v29  }
0x1d7: {  	v26 =	vadd.s32 v33, v26;
	v27 =	vadd.s32 v38, v27;
	v36 =	vor.u32 v14, v36  }
0x1d8: {  	v42 =	vld.idx.msk [tilespmem:v37+s2+$0x0], $0xffff;
	v32 =	vand.u32 $0xFFFFF800, v61;
	v30 =	vor.u32 v63, v30;
	v27 =	vor.u32 v11, v27  }
0x1d9: {  	v47 =	vld.idx.msk [tilespmem:v31+s2+$0x0], $0xffff;
	v26 =	vor.u32 v18, v26;
	v28 =	vadd.s32 v32, v28;
	v27 =	vor.u32 v63, v27  }
0x1da: {  	v24 =	vadd.s32 v38, v24;
	v26 =	vor.u32 v62, v26;
	v28 =	vor.u32 v12, v28;
	v43 =	vld.idx.msk [tilespmem:v35+s2+$0x0], $0xffff  }
0x1db: {  	v23 =	vadd.s32 v33, v23;
	v11 =	vor.u32 v11, v24;
	v28 =	vor.u32 v40, v28;
	v48 =	vld.idx.msk [tilespmem:v29+s2+$0x0], $0xffff  }
0x1dc: {  	v25 =	vadd.s32 v32, v25;
	v18 =	vor.u32 v18, v23;
	v11 =	vor.u32 v14, v11;
	v41 =	vld.idx.msk [tilespmem:v36+s2+$0x0], $0xffff  }
0x1dd: {  	v12 =	vor.u32 v12, v25;
	v13 =	vor.u32 v13, v18;
	v54 =	vmul.f32 v42, v9;
	v44 =	vld.idx.msk [tilespmem:v30+s2+$0x0], $0xffff  }
0x1de: {  	v4 =	vsub.f32 v3, v45;
	v12 =	vor.u32 v19, v12;
	v22 =	vmul.f32 v47, v51;
	v52 =	vld.idx.msk [tilespmem:v27+s2+$0x0], $0xffff  }
0x1df: {  	v49 =	vsub.f32 $1.000000000e+00, v6;
	v53 =	vsub.f32 $1.000000000e+00, v5;
	v59 =	vmul.f32 v54, v58;
	v56 =	vld.idx.msk [tilespmem:v26+s2+$0x0], $0xffff  }
0x1e0: {  	v57 =	vsub.f32 $1.000000000e+00, v4;
	v60 =	vmul.f32 v22, v58;
	v3 =	vld.idx.msk [tilespmem:v28+s2+$0x0], $0xffff;
	v16 =	vmul.f32 v43, v5  }
0x1e1: {  	v7 =	vadd.f32 v7, v10;
	v11 =	vld.idx.msk [tilespmem:v11+s2+$0x0], $0xffff;
	v18 =	vmul.f32 v48, v53;
	v50 =	vmul.f32 v41, v6  }
0x1e2: {  	v55 =	vsub.f32 $1.000000000e+00, v21;
	v13 =	vld.idx.msk [tilespmem:v13+s2+$0x0], $0xffff;
	v15 =	vmul.f32 v44, v49;
	v16 =	vmul.f32 v16, v57  }
0x1e3: {  	v7 =	vadd.f32 v8, v7;
	v12 =	vld.idx.msk [tilespmem:v12+s2+$0x0], $0xffff;
	v18 =	vmul.f32 v18, v57;
	v8 =	vmul.f32 v52, v49  }
0x1e4: {  	v15 =	vmul.f32 v15, v55;
	v10 =	vmul.f32 v50, v55  }
0x1e5: {  	v14 =	vadd.f32 v59, v60;
	v61 =	vmul.f32 v56, v53;
	v3 =	vmul.f32 v3, v51  }
0x1e6: {  	v6 =	vmul.f32 v11, v6;
	v62 =	vmul.f32 v8, v21;
	v10 =	vadd.f32 v10, v15  }
0x1e7: {  	v16 =	vadd.f32 v16, v18;
	v63 =	vmul.f32 v3, v2;
	v3 =	vmul.f32 v61, v4  }
0x1e8: {  	s18 =	simm.s32 $0x19020;
	v9 =	vmul.f32 v12, v9;
	v8 =	vmul.f32 v13, v5;
	v5 =	vadd.f32 v62, v10  }
0x1e9: {  	s19 =	simm.s32 $0x0;
	s20 =	simm.s32 $0x40;
	[tilespmem:s18+$0x10] =	vst v7;
	v6 =	vmul.f32 v6, v21;
	v3 =	vadd.f32 v3, v16;
	v7 =	vadd.f32 v63, v14  }
.LBB2_6:
0x1ea: {  	v10 =	vor.u32 s20, v1;
	s21 =	sadd.s32 $0x10, s20;
	s22 =	sadd.s32 $0x20, s20;
	s23 =	sadd.s32 $0x30, s20;
	v4 =	vmul.f32 v8, v4;
	v2 =	vmul.f32 v9, v2  }
0x1eb: {  	s19 =	sadd.s32 $0x4, s19;
	v8 =	vor.u32 s21, v1;
	v9 =	vor.u32 s22, v1;
	v11 =	vor.u32 s23, v1  }
0x1ec: {  	p0 =	slt.u32 s19, $0x9C;
	v12 =	vmul.u32 $0x51F, v8;
	v13 =	vmul.u32 $0x51F, v9;
	v14 =	vmul.u32 $0x51F, v11  }
0x1ed: {  	v15 =	vmul.u32 $0x51F, v10;
	v5 =	vadd.f32 v6, v5;
	v2 =	vadd.f32 v2, v7  }
0x1ee: {  	v6 =	vshrl.u32 v12, $0x10;
	v7 =	vshrl.u32 v13, $0x10;
	v12 =	vshrl.u32 v14, $0x10  }
0x1ef: {  	v13 =	vshrl.u32 v15, $0x10;
	v14 =	vmul.u32 $0xFFFFFFCE, v6;
	v15 =	vcvt.s32.f32 v12;
	[tilespmem:s18+$0xFFFFFFF0] =	vst v5  }
0x1f0: {  	v5 =	vmul.u32 $0xFFFFFFCE, v13;
	v16 =	vmul.u32 $0xFFFFFFCE, v7;
	v12 =	vmul.u32 $0xFFFFFFCE, v12;
	[tilespmem:s18+$0x0] =	vst v2  }
0x1f1: {  	v6 =	vcvt.s32.f32 v6;
	v2 =	vadd.s32 v8, v14;
	v8 =	vmul.f32 v15, v0  }
0x1f2: {  	v5 =	vadd.s32 v10, v5;
	v9 =	vadd.s32 v9, v16;
	v10 =	vadd.s32 v11, v12  }
0x1f3: {  	v3 =	vadd.f32 v4, v3;
	v10 =	vcvt.s32.f32 v10;
	v8 =	vmul.f32 $1.990000000e+02, v8  }
0x1f4: {  	v2 =	vcvt.s32.f32 v2;
	v4 =	vcvt.s32.f32 v9  }
0x1f5: {  	v9 =	vmul.f32 v10, v0;
	v10 =	vtrunc.f32 v8;
	[tilespmem:s18+$0xFFFFFFE0] =	vst v3  }
0x1f6: {  	v3 =	vcvt.s32.f32 v5;
	v5 =	vcvt.f32.s32 v10  }
0x1f7: {  	v7 =	vcvt.s32.f32 v7;
	v9 =	vmul.f32 $1.990000000e+02, v9  }
0x1f8: {  	v10 =	vcvt.s32.f32 v13;
	vm0 =	vlt.s32 v5, $0xC7;
	vm1 =	vlt.s32 v5, $0xC6  }
0x1f9: {  	v11 =	vtrunc.f32 v9;
	v12 =	vnsel vm0, $0xC7, v5;
	v5 =	vnsel vm1, $0xC6, v5  }
0x1fa: {  	v11 =	vcvt.f32.s32 v11;
	v5 =	vadd.s32 $0x1, v5;
	v13 =	vshll.u32 v12, $0x7  }
0x1fb: {  	v14 =	vshll.u32 v12, $0x8;
	v13 =	vand.u32 $0x380, v13;
	v15 =	vshll.u32 v5, $0x7  }
0x1fc: {  	vm0 =	vlt.s32 v11, $0xC7;
	vm1 =	vlt.s32 v11, $0xC6;
	v5 =	vshll.u32 v5, $0x8  }
0x1fd: {  	v14 =	vand.u32 $0xFFFFF800, v14;
	v16 =	vnsel vm0, $0xC7, v11;
	v11 =	vnsel vm1, $0xC6, v11  }
0x1fe: {  	v15 =	vand.u32 $0x380, v15;
	v11 =	vadd.s32 $0x1, v11;
	v17 =	vshll.u32 v16, $0x3  }
0x1ff: {  	v5 =	vand.u32 $0xFFFFF800, v5;
	v17 =	vand.u32 $0xFFFFFC00, v17;
	v18 =	vshll.u32 v11, $0x3  }
0x200: {  	v19 =	vand.u32 $0x7F, v16;
	v20 =	vadd.s32 v14, v17;
	v18 =	vand.u32 $0xFFFFFC00, v18  }
0x201: {  	v11 =	vand.u32 $0x7F, v11;
	v20 =	vor.u32 v13, v20;
	v14 =	vadd.s32 v14, v18  }
0x202: {  	v20 =	vor.u32 v19, v20;
	v13 =	vor.u32 v13, v14;
	v14 =	vadd.s32 v5, v17  }
0x203: {  	v2 =	vmul.f32 v2, v0;
	v13 =	vor.u32 v11, v13;
	v14 =	vor.u32 v15, v14  }
0x204: {  	v4 =	vmul.f32 v4, v0;
	v3 =	vmul.f32 v3, v0;
	v14 =	vor.u32 v19, v14  }
0x205: {  	v17 =	vmul.f32 v6, v0;
	v5 =	vadd.s32 v5, v18;
	v19 =	vmul.f32 v7, v0  }
0x206: {  	v10 =	vmul.f32 v10, v0;
	v6 =	vmul.f32 $1.990000000e+02, v2;
	v2 =	vor.u32 v15, v5  }
0x207: {  	v5 =	vmul.f32 $1.990000000e+02, v3;
	v7 =	vmul.f32 $1.990000000e+02, v4;
	v11 =	vor.u32 v11, v2;
	v15 =	vld.idx.msk [tilespmem:v20+s2+$0x0], $0xffff  }
0x208: {  	v16 =	vcvt.s32.f32 v16;
	v2 =	vmul.f32 $1.990000000e+02, v17;
	v13 =	vld.idx.msk [tilespmem:v13+s2+$0x0], $0xffff  }
0x209: {  	v4 =	vmul.f32 $1.990000000e+02, v10;
	v3 =	vmul.f32 $1.990000000e+02, v19;
	v10 =	vld.idx.msk [tilespmem:v14+s2+$0x0], $0xffff  }
0x20a: {  	v12 =	vcvt.s32.f32 v12;
	v9 =	vsub.f32 v9, v16;
	v14 =	vtrunc.f32 v6  }
0x20b: {  	v16 =	vtrunc.f32 v5;
	v17 =	vtrunc.f32 v7  }
0x20c: {  	v8 =	vsub.f32 v8, v12;
	v12 =	vsub.f32 $1.000000000e+00, v9;
	v14 =	vcvt.f32.s32 v14;
	v11 =	vld.idx.msk [tilespmem:v11+s2+$0x0], $0xffff  }
0x20d: {  	v16 =	vcvt.f32.s32 v16;
	v17 =	vcvt.f32.s32 v17  }
0x20e: {  	v18 =	vsub.f32 $1.000000000e+00, v8;
	v15 =	vmul.f32 v15, v12;
	v13 =	vmul.f32 v13, v9  }
0x20f: {  	v19 =	vtrunc.f32 v2;
	vm0 =	vlt.s32 v14, $0xC6;
	v10 =	vmul.f32 v10, v12  }
0x210: {  	vm1 =	vlt.s32 v17, $0xC6;
	v12 =	vmul.f32 v15, v18;
	v13 =	vmul.f32 v13, v18  }
0x211: {  	vm2 =	vlt.s32 v16, $0xC6;
	v15 =	vtrunc.f32 v4;
	v18 =	vtrunc.f32 v3  }
0x212: {  	v10 =	vmul.f32 v10, v8;
	v12 =	vadd.f32 v13, v12;
	v9 =	vmul.f32 v11, v9  }
0x213: {  	v18 =	vcvt.f32.s32 v18;
	v11 =	vcvt.f32.s32 v19;
	v13 =	vnsel vm0, $0xC6, v14  }
0x214: {  	v15 =	vcvt.f32.s32 v15;
	v10 =	vadd.f32 v10, v12;
	v8 =	vmul.f32 v9, v8  }
0x215: {  	vm0 =	vlt.s32 v14, $0xC7;
	v9 =	vnsel vm2, $0xC6, v16;
	v12 =	vnsel vm1, $0xC6, v17  }
0x216: {  	vm1 =	vlt.s32 v16, $0xC7;
	vm2 =	vlt.s32 v17, $0xC7;
	v8 =	vadd.f32 v8, v10  }
0x217: {  	s18 =	sadd.s32 $0x40, s18;
	vm3 =	vlt.s32 v15, $0xC7;
	vm5 =	vlt.s32 v18, $0xC7;
	vm4 =	vlt.s32 v11, $0xC7  }
0x218: {  	v9 =	vadd.s32 $0x1, v9;
	v12 =	vadd.s32 $0x1, v12;
	v10 =	vadd.s32 $0x1, v13;
	[tilespmem:s18+$0x10] =	vst v8  }
0x219: {  	v13 =	vnsel vm0, $0xC7, v14;
	v14 =	vnsel vm2, $0xC7, v17;
	v8 =	vnsel vm1, $0xC7, v16  }
0x21a: {  	v19 =	vnsel vm5, $0xC7, v18;
	v17 =	vnsel vm4, $0xC7, v11;
	v16 =	vnsel vm3, $0xC7, v15  }
0x21b: {  	vm0 =	vlt.s32 v15, $0xC6;
	vm2 =	vlt.s32 v18, $0xC6;
	vm1 =	vlt.s32 v11, $0xC6  }
0x21c: {  	v20 =	vshll.u32 v9, $0x3;
	v22 =	vshll.u32 v12, $0x3;
	v21 =	vshll.u32 v10, $0x3  }
0x21d: {  	v24 =	vshll.u32 v13, $0x3;
	v25 =	vshll.u32 v14, $0x3;
	v23 =	vshll.u32 v8, $0x3  }
0x21e: {  	v28 =	vshll.u32 v19, $0x8;
	v27 =	vshll.u32 v17, $0x8;
	v26 =	vshll.u32 v16, $0x8  }
0x21f: {  	v18 =	vnsel vm2, $0xC6, v18;
	v15 =	vnsel vm0, $0xC6, v15;
	v11 =	vnsel vm1, $0xC6, v11  }
0x220: {  	v20 =	vand.u32 $0xFFFFFC00, v20;
	v22 =	vand.u32 $0xFFFFFC00, v22;
	v21 =	vand.u32 $0xFFFFFC00, v21  }
0x221: {  	v24 =	vand.u32 $0xFFFFFC00, v24;
	v25 =	vand.u32 $0xFFFFFC00, v25;
	v23 =	vand.u32 $0xFFFFFC00, v23  }
0x222: {  	v28 =	vand.u32 $0xFFFFF800, v28;
	v27 =	vand.u32 $0xFFFFF800, v27;
	v26 =	vand.u32 $0xFFFFF800, v26  }
0x223: {  	v29 =	vshll.u32 v17, $0x7;
	v18 =	vadd.s32 $0x1, v18;
	v11 =	vadd.s32 $0x1, v11  }
0x224: {  	v31 =	vshll.u32 v19, $0x7;
	v15 =	vadd.s32 $0x1, v15;
	v30 =	vshll.u32 v16, $0x7  }
0x225: {  	v34 =	vadd.s32 v28, v22;
	v33 =	vadd.s32 v27, v21;
	v32 =	vadd.s32 v26, v20  }
0x226: {  	v27 =	vadd.s32 v27, v24;
	v28 =	vadd.s32 v28, v25;
	v26 =	vadd.s32 v26, v23  }
0x227: {  	v31 =	vand.u32 $0x380, v31;
	v29 =	vand.u32 $0x380, v29;
	v35 =	vshll.u32 v11, $0x8  }
0x228: {  	v37 =	vshll.u32 v18, $0x8;
	v30 =	vand.u32 $0x380, v30;
	v36 =	vshll.u32 v15, $0x8  }
0x229: {  	v34 =	vor.u32 v31, v34;
	v33 =	vor.u32 v29, v33;
	v32 =	vor.u32 v30, v32  }
0x22a: {  	v27 =	vor.u32 v29, v27;
	v28 =	vor.u32 v31, v28;
	v26 =	vor.u32 v30, v26  }
0x22b: {  	v9 =	vand.u32 $0x7F, v9;
	v12 =	vand.u32 $0x7F, v12;
	v10 =	vand.u32 $0x7F, v10  }
0x22c: {  	v29 =	vand.u32 $0x7F, v8;
	v31 =	vand.u32 $0x7F, v14;
	v30 =	vand.u32 $0x7F, v13  }
0x22d: {  	v37 =	vand.u32 $0xFFFFF800, v37;
	v36 =	vand.u32 $0xFFFFF800, v36;
	v35 =	vand.u32 $0xFFFFF800, v35  }
0x22e: {  	v18 =	vshll.u32 v18, $0x7;
	v15 =	vshll.u32 v15, $0x7;
	v11 =	vshll.u32 v11, $0x7  }
0x22f: {  	v34 =	vor.u32 v12, v34;
	v33 =	vor.u32 v10, v33;
	v32 =	vor.u32 v9, v32  }
0x230: {  	v28 =	vor.u32 v31, v28;
	v26 =	vor.u32 v29, v26;
	v27 =	vor.u32 v30, v27  }
0x231: {  	v25 =	vadd.s32 v37, v25;
	v23 =	vadd.s32 v36, v23;
	v24 =	vadd.s32 v35, v24  }
0x232: {  	v18 =	vand.u32 $0x380, v18;
	v15 =	vand.u32 $0x380, v15;
	v11 =	vand.u32 $0x380, v11  }
0x233: {  	v14 =	vcvt.s32.f32 v14;
	v13 =	vcvt.s32.f32 v13;
	v24 =	vor.u32 v11, v24  }
0x234: {  	v8 =	vcvt.s32.f32 v8;
	v25 =	vor.u32 v18, v25;
	v23 =	vor.u32 v15, v23;
	v33 =	vld.idx.msk [tilespmem:v33+s2+$0x0], $0xffff  }
0x235: {  	v25 =	vor.u32 v31, v25;
	v23 =	vor.u32 v29, v23;
	v24 =	vor.u32 v30, v24;
	v29 =	vld.idx.msk [tilespmem:v34+s2+$0x0], $0xffff  }
0x236: {  	v22 =	vadd.s32 v37, v22;
	v20 =	vadd.s32 v36, v20;
	v21 =	vadd.s32 v35, v21;
	v30 =	vld.idx.msk [tilespmem:v32+s2+$0x0], $0xffff  }
0x237: {  	v7 =	vsub.f32 v7, v14;
	v6 =	vsub.f32 v6, v13;
	v13 =	vcvt.s32.f32 v17;
	v17 =	vld.idx.msk [tilespmem:v27+s2+$0x0], $0xffff  }
0x238: {  	v5 =	vsub.f32 v5, v8;
	v8 =	vcvt.s32.f32 v16;
	v14 =	vcvt.s32.f32 v19;
	v16 =	vld.idx.msk [tilespmem:v28+s2+$0x0], $0xffff  }
0x239: {  	v18 =	vor.u32 v18, v22;
	v15 =	vor.u32 v15, v20;
	v11 =	vor.u32 v11, v21;
	v19 =	vld.idx.msk [tilespmem:v26+s2+$0x0], $0xffff  }
0x23a: {  	v9 =	vor.u32 v9, v15;
	v10 =	vor.u32 v10, v11;
	v11 =	vor.u32 v12, v18;
	v15 =	vld.idx.msk [tilespmem:v24+s2+$0x0], $0xffff  }
0x23b: {  	v21 =	vsub.f32 $1.000000000e+00, v7;
	v12 =	vsub.f32 $1.000000000e+00, v6;
	v18 =	vmul.f32 v33, v6;
	v20 =	vld.idx.msk [tilespmem:v25+s2+$0x0], $0xffff  }
0x23c: {  	v13 =	vsub.f32 v2, v13;
	v24 =	vmul.f32 v29, v7;
	v22 =	vld.idx.msk [tilespmem:v23+s2+$0x0], $0xffff;
	v23 =	vsub.f32 $1.000000000e+00, v5  }
0x23d: {  	v4 =	vsub.f32 v4, v8;
	v2 =	vsub.f32 v3, v14;
	v8 =	vmul.f32 v30, v5  }
0x23e: {  	v14 =	vsub.f32 $1.000000000e+00, v13;
	v3 =	vmul.f32 v17, v12;
	v16 =	vmul.f32 v16, v21  }
0x23f: {  	v25 =	vsub.f32 $1.000000000e+00, v2;
	v17 =	vmul.f32 v19, v23;
	v19 =	vsub.f32 $1.000000000e+00, v4;
	v10 =	vld.idx.msk [tilespmem:v10+s2+$0x0], $0xffff  }
0x240: {  	v3 =	vmul.f32 v3, v14;
	v14 =	vmul.f32 v18, v14;
	v11 =	vld.idx.msk [tilespmem:v11+s2+$0x0], $0xffff  }
0x241: {  	v18 =	vmul.f32 v24, v25;
	v8 =	vmul.f32 v8, v19;
	v9 =	vld.idx.msk [tilespmem:v9+s2+$0x0], $0xffff  }
0x242: {  	v17 =	vmul.f32 v17, v19;
	v3 =	vadd.f32 v14, v3;
	v14 =	vmul.f32 v16, v25  }
0x243: {  	v12 =	vmul.f32 v15, v12;
	v15 =	vmul.f32 v20, v21  }
.Ltmp2:
0x244: {  	v16 =	vadd.f32 v8, v17;
	v8 =	vmul.f32 v22, v23;
	v14 =	vadd.f32 v18, v14;
	(pc) =	sbr.rel @p0 .LBB2_6-.Ltmp2, $4  }
0x245: {  	v12 =	vmul.f32 v12, v13;
	v15 =	vmul.f32 v15, v2  }
0x246: {  	v17 =	vmul.f32 v8, v4;
	v6 =	vmul.f32 v10, v6  }
0x247: {  	v8 =	vmul.f32 v9, v5;
	v5 =	vadd.f32 v12, v3;
	v9 =	vmul.f32 v11, v7  }
0x248: {  	s20 =	sadd.s32 $0x40, s20;
	v3 =	vadd.f32 v17, v16;
	v6 =	vmul.f32 v6, v13;
	v7 =	vadd.f32 v15, v14  }
0x249: {  	v2 =	vmul.f32 v9, v2  }
0x24a: {  	v4 =	vmul.f32 v8, v4;
	v5 =	vadd.f32 v6, v5  }
0x24b: {  	v2 =	vadd.f32 v2, v7  }
0x24c: {  	s17 =	sadd.s32 $0x1, s17;
	v3 =	vadd.f32 v4, v3;
	[tilespmem:s18+$0xFFFFFFF0] =	vst v5  }
0x24d: {  	p0 =	sne.s32 s17, s9;
	[tilespmem:s18+$0x0] =	vst v2  }
.Ltmp3:
0x24e: {  	[tilespmem:s18+$0xFFFFFFE0] =	vst v3;
	(pc) =	sbr.rel @p0 .LBB2_1-.Ltmp3, $4  }
0x24f: {  	[hbm4b:s8+s12] =	stream.strided.scatter [tilespmem:s14], [sflag:$0x3], $0xA00, s13, s12, $0x38;
	[tilespmem:$0x19A00] =	vst v63  }
0x250: {  	_ =	swait.ge [sflag:s15], $0xA00  }
0x251: {  	[sflag:s15] =	ssyncset.done $0x0  }
0x252: {  	[sflag:s15] =	ssyncadd.s32 $0xFFFFF600  }
0x253: {  	_ =	sfence.sel $0x180000  }
0x254: {  	[bflag:$0x0] =	sbarrier.arrive $0xFFFF  }
0x255: {  	p0 =	sne.s32 s0, $0x0;
	_ =	strace $0x90000047  }
0x256: {  	s0 =	sadd.s32 @!p0 $0x100000, s1;
	[bflag:$0x2] =	sbarrier.arrive $0xFFFF  }
0x257: {  	[sflag:s0] =	ssyncadd.tile.s32 @!p0 $0x1;
	_ =	shalt  }
.Lfunc_end2:
_tile_overlayer_lowered:
.L_overlay_start_2:
0x258: {  	(tag) =	ssettag $0x2  }
0x259: {  	s0 =	rddreg [dreg:$0x0];
	s2 =	stileid.u32  }
0x25a: {  	s1 =	rddreg [dreg:$0x1];
	p0 =	sne.s32 s2, $0x0  }
0x25b: {  	s3 =	rddreg [dreg:$0x2];
	[bflag:$0x3] =	sbarrier.arrive $0xFFFF;
	s2 =	simm.s32 @!p0 $0x1C03  }
0x25c: {  	[timem:s3], [sflag:s2] =	dma.local @!p0 [hbm:s0], s1  }
0x25d: {  	s0 =	simm.s32 @!p0 $0x3  }
0x25e: {  	_ =	swait.ge @!p0 [sflag:s0], s1  }
0x25f: {  	s1 =	ssub.s32 @!p0 $0x0, s1;
	[sflag:s0] =	ssyncset.done @!p0 $0x0  }
0x260: {  	[sflag:s0] =	ssyncadd.s32 @!p0 s1  }
0x261: {  	[bflag:$0x3] =	sbarrier.arrive $0xFFFF  }
0x262: {  	_ =	shalt  }

</sc_bundles>
